<compile_context>
chip_gen: v7x
topology: tpu7x:2x2x1
jax: 0.10.2.dev20260603
libtpu: 0.0.44.dev20260713+nightly
codegen_flags: <defaults>
</compile_context>

<pallas_src>
import functools

import jax
import jax.numpy as jnp
from jax import lax
from jax.experimental import pallas as pl
from jax.experimental.pallas import tpu as pltpu
from jax.experimental.pallas import tpu_sc as plsc

NC = 2
NS = 16
NW = NC * NS
NBUF = 8


@functools.partial(jax.jit, static_argnums=(2,))
def _sc_gather(ids, table, shapes):
    b, h, v, d = shapes
    bw = b // NW
    mesh = plsc.VectorSubcoreMesh(core_axis_name="c", subcore_axis_name="s")
    ngroup = bw // NBUF
    assert ngroup * NBUF == bw

    @functools.partial(
        pl.kernel,
        out_type=jax.ShapeDtypeStruct((b, h, d), jnp.float32),
        mesh=mesh,
        scratch_types=[
            pltpu.VMEM((bw, h), jnp.int32),
            pltpu.VMEM((NBUF, h, d), jnp.float32),
            pltpu.SemaphoreType.DMA,
            pltpu.SemaphoreType.DMA,
        ],
        compiler_params=pltpu.CompilerParams(use_tc_tiling_on_sc=False),
    )
    def k(ids_hbm, table_hbm, out_hbm, idx_v, rows_v, gsem, wsem):
        wid = lax.axis_index("s") * NC + lax.axis_index("c")
        base = wid * bw
        pltpu.sync_copy(ids_hbm.at[pl.ds(base, bw)], idx_v)

        def group(g, carry):
            for bb in range(NBUF):
                pltpu.async_copy(
                    table_hbm.at[idx_v.at[g * NBUF + bb]], rows_v.at[bb], gsem
                )
            for bb in range(NBUF):
                pltpu.make_async_copy(
                    table_hbm.at[idx_v.at[g * NBUF + bb]], rows_v.at[bb], gsem
                ).wait()
            for bb in range(NBUF):
                pltpu.async_copy(
                    rows_v.at[bb], out_hbm.at[base + g * NBUF + bb], wsem
                )
            for bb in range(NBUF):
                pltpu.make_async_copy(
                    rows_v.at[bb], out_hbm.at[base + g * NBUF + bb], wsem
                ).wait()
            return carry

        lax.fori_loop(0, ngroup, group, 0)

    return k(ids, table)


def kernel(input_ids, table):
    b, h = input_ids.shape
    v, d = table.shape
    assert b % NW == 0
    out = _sc_gather(input_ids.astype(jnp.int32), table, (b, h, v, d))
    return out[..., None, None]

# --- scband reference (transcript-rebuilt; emitter-appended) ---
"""Pipeline reference for scband-code-embedder-wrapper-65884798320661 (READ-ONLY COPY).

The authoritative reference and input builder live on the scoring server;
editing this copy changes nothing except your own understanding.
"""

import jax, jax.numpy as jnp
import numpy as np

VOCAB = 1000000
EMBED_DIM = 64
BATCH = 4096
HIST = 200


def setup_inputs(seed: int = 0) -> dict:
    key = jax.random.key(seed)
    k_ids, k_tab = jax.random.split(key)
    input_ids = jax.random.randint(k_ids, (BATCH, HIST), 0, VOCAB, dtype=jnp.int64 if jax.config.jax_enable_x64 else jnp.int32)
    table = jax.random.normal(k_tab, (VOCAB, EMBED_DIM), dtype=jnp.float32) * 0.02
    return {"input_ids": input_ids, "table": table}


def reference(input_ids, table):
    # emb = self.codec_embedding(input_ids)
    emb = jnp.take(table, input_ids, axis=0)  # [B, L, D]
    # .squeeze(0).squeeze(0): no-op since dims 0 are not size-1 here (B=4096)
    if emb.shape[0] == 1:
        emb = jnp.squeeze(emb, axis=0)
    if emb.shape[0] == 1:
        emb = jnp.squeeze(emb, axis=0)
    # .unsqueeze(-1).unsqueeze(-1)
    emb = emb[..., None, None]
    return emb

if __name__ == "__main__":
    import jax
    _d = setup_inputs()
    print(jax.jit(kernel)(*tuple(_d.values())))

</pallas_src>

<mosaic_0001>
#map = affine_map<(d0, d1) -> (0, 0)>
#map1 = affine_map<(d0, d1) -> (0, 0, 0)>
module attributes {stable_mosaic.version = 14 : i64} {
  func.func @k(%arg0: i32, %arg1: i32, %arg2: memref<4096x200xi32, #tpu.memory_space<hbm>>, %arg3: memref<1000000x64xf32, #tpu.memory_space<hbm>>, %arg4: memref<4096x200x64xf32, #tpu.memory_space<hbm>>, %arg5: memref<128x200xi32, #tpu.memory_space<vmem>>, %arg6: memref<8x200x64xf32, #tpu.memory_space<vmem>>, %arg7: memref<!tpu.dma_semaphore, #tpu.memory_space<semaphore_mem>>, %arg8: memref<!tpu.dma_semaphore, #tpu.memory_space<semaphore_mem>>) attributes {dimension_semantics = [#tpu.dimension_semantics<core_parallel>, #tpu.dimension_semantics<subcore_parallel>], iteration_bounds = array<i64: 2, 16>, scalar_prefetch = 0 : i64, scratch_operands = 4 : i64, tpu.core_type = #tpu.core_type<sc_vector_subcore>, window_params = [{transform_indices = #map}, {transform_indices = #map}, {transform_indices = #map1}]} {
    %mul3A = arith.constant 2 : i32
    %mul3A_0 = arith.muli %arg1, %mul3A : i32
    %add3A = arith.addi %mul3A_0, %arg0 : i32
    %mul3A_1 = arith.constant 128 : i32
    %mul3A_2 = arith.muli %add3A, %mul3A_1 : i32
    "tpu.region"() ({
      %run_scoped3A = tpu.sem_alloc : memref<!tpu.dma_semaphore, #tpu.memory_space<semaphore_mem>>
      %dma_start3A = arith.constant 0 : i32
      %dma_start3A_8 = tpu.memref_slice %arg2[%mul3A_2, %dma_start3A] : memref<4096x200xi32, #tpu.memory_space<hbm>> -> memref<128x200xi32, #tpu.memory_space<hbm>>
      %dma_start3A_9 = arith.constant 0 : i32
      %dma_start3A_10 = tpu.memref_slice %arg2[%mul3A_2, %dma_start3A_9] : memref<4096x200xi32, #tpu.memory_space<hbm>> -> memref<128x200xi32, #tpu.memory_space<hbm>>
      tpu.enqueue_dma source(%dma_start3A_10 : memref<128x200xi32, #tpu.memory_space<hbm>>) target(%arg5 : memref<128x200xi32, #tpu.memory_space<vmem>>) target_semaphore(%run_scoped3A : memref<!tpu.dma_semaphore, #tpu.memory_space<semaphore_mem>>)
      %dma_wait3A = arith.constant 0 : i32
      %dma_wait3A_11 = tpu.memref_slice %arg2[%mul3A_2, %dma_wait3A] : memref<4096x200xi32, #tpu.memory_space<hbm>> -> memref<128x200xi32, #tpu.memory_space<hbm>>
      %dma_wait3A_12 = arith.constant 0 : i32
      %dma_wait3A_13 = tpu.memref_slice %arg2[%mul3A_2, %dma_wait3A_12] : memref<4096x200xi32, #tpu.memory_space<hbm>> -> memref<128x200xi32, #tpu.memory_space<hbm>>
      tpu.wait_dma2 semaphore(%run_scoped3A : memref<!tpu.dma_semaphore, #tpu.memory_space<semaphore_mem>>) src(%dma_wait3A_13 : memref<128x200xi32, #tpu.memory_space<hbm>>) dst(%arg5 : memref<128x200xi32, #tpu.memory_space<vmem>>)
      tpu.yield
    }) : () -> ()
    %scan3A = arith.constant 0 : i32
    %scan3A_3 = arith.constant 0 : i32
    %scan3A_4 = arith.constant 16 : i32
    %scan3A_5 = arith.addi %scan3A_3, %scan3A_4 : i32
    %scan3A_6 = arith.constant 1 : i32
    scf.for %scan3A_8 = %scan3A_3 to %scan3A_5 step %scan3A_6  : i32 {
      %mul3A_9 = arith.constant 8 : i32
      %mul3A_10 = arith.muli %scan3A_8, %mul3A_9 : i32
      %add3A_11 = arith.constant 0 : i32
      %add3A_12 = arith.addi %mul3A_10, %add3A_11 : i32
      %dma_start3A = arith.constant 0 : i32
      %dma_start3A_13 = arith.constant 0 : i32
      %dma_start3A_14 = arith.constant 0 : i32
      %dma_start3A_15 = tpu.memref_slice %arg6[%dma_start3A, %dma_start3A_13, %dma_start3A_14] : memref<8x200x64xf32, #tpu.memory_space<vmem>> -> memref<1x200x64xf32, #tpu.memory_space<vmem>>
      %dma_start3A_16 = tpu.memref_squeeze %dma_start3A_15 : memref<1x200x64xf32, #tpu.memory_space<vmem>> -> memref<200x64xf32, #tpu.memory_space<vmem>>
      %dma_start3A_17 = arith.constant 0 : i32
      %dma_start3A_18 = tpu.memref_slice %arg5[%add3A_12, %dma_start3A_17] : memref<128x200xi32, #tpu.memory_space<vmem>> -> memref<1x200xi32, #tpu.memory_space<vmem>>
      %dma_start3A_19 = tpu.memref_squeeze %dma_start3A_18 : memref<1x200xi32, #tpu.memory_space<vmem>> -> memref<200xi32, #tpu.memory_space<vmem>>
      %dma_start3A_20 = arith.constant 0 : i32
      %dma_start3A_21 = arith.constant 0 : i32
      %dma_start3A_22 = tpu.memref_slice %arg3[%dma_start3A_20, %dma_start3A_21] : memref<1000000x64xf32, #tpu.memory_space<hbm>> -> memref<1000000x64xf32, #tpu.memory_space<hbm>>
      tpu.enqueue_indirect_dma source(%dma_start3A_22 : memref<1000000x64xf32, #tpu.memory_space<hbm>>) target(%dma_start3A_16 : memref<200x64xf32, #tpu.memory_space<vmem>>) offsets(%dma_start3A_19 : memref<200xi32, #tpu.memory_space<vmem>>) semaphore(%arg7 : memref<!tpu.dma_semaphore, #tpu.memory_space<semaphore_mem>>)
      %mul3A_23 = arith.constant 8 : i32
      %mul3A_24 = arith.muli %scan3A_8, %mul3A_23 : i32
      %add3A_25 = arith.constant 1 : i32
      %add3A_26 = arith.addi %mul3A_24, %add3A_25 : i32
      %dma_start3A_27 = arith.constant 1 : i32
      %dma_start3A_28 = arith.constant 0 : i32
      %dma_start3A_29 = arith.constant 0 : i32
      %dma_start3A_30 = tpu.memref_slice %arg6[%dma_start3A_27, %dma_start3A_28, %dma_start3A_29] : memref<8x200x64xf32, #tpu.memory_space<vmem>> -> memref<1x200x64xf32, #tpu.memory_space<vmem>>
      %dma_start3A_31 = tpu.memref_squeeze %dma_start3A_30 : memref<1x200x64xf32, #tpu.memory_space<vmem>> -> memref<200x64xf32, #tpu.memory_space<vmem>>
      %dma_start3A_32 = arith.constant 0 : i32
      %dma_start3A_33 = tpu.memref_slice %arg5[%add3A_26, %dma_start3A_32] : memref<128x200xi32, #tpu.memory_space<vmem>> -> memref<1x200xi32, #tpu.memory_space<vmem>>
      %dma_start3A_34 = tpu.memref_squeeze %dma_start3A_33 : memref<1x200xi32, #tpu.memory_space<vmem>> -> memref<200xi32, #tpu.memory_space<vmem>>
      %dma_start3A_35 = arith.constant 0 : i32
      %dma_start3A_36 = arith.constant 0 : i32
      %dma_start3A_37 = tpu.memref_slice %arg3[%dma_start3A_35, %dma_start3A_36] : memref<1000000x64xf32, #tpu.memory_space<hbm>> -> memref<1000000x64xf32, #tpu.memory_space<hbm>>
      tpu.enqueue_indirect_dma source(%dma_start3A_37 : memref<1000000x64xf32, #tpu.memory_space<hbm>>) target(%dma_start3A_31 : memref<200x64xf32, #tpu.memory_space<vmem>>) offsets(%dma_start3A_34 : memref<200xi32, #tpu.memory_space<vmem>>) semaphore(%arg7 : memref<!tpu.dma_semaphore, #tpu.memory_space<semaphore_mem>>)
      %mul3A_38 = arith.constant 8 : i32
      %mul3A_39 = arith.muli %scan3A_8, %mul3A_38 : i32
      %add3A_40 = arith.constant 2 : i32
      %add3A_41 = arith.addi %mul3A_39, %add3A_40 : i32
      %dma_start3A_42 = arith.constant 2 : i32
      %dma_start3A_43 = arith.constant 0 : i32
      %dma_start3A_44 = arith.constant 0 : i32
      %dma_start3A_45 = tpu.memref_slice %arg6[%dma_start3A_42, %dma_start3A_43, %dma_start3A_44] : memref<8x200x64xf32, #tpu.memory_space<vmem>> -> memref<1x200x64xf32, #tpu.memory_space<vmem>>
      %dma_start3A_46 = tpu.memref_squeeze %dma_start3A_45 : memref<1x200x64xf32, #tpu.memory_space<vmem>> -> memref<200x64xf32, #tpu.memory_space<vmem>>
      %dma_start3A_47 = arith.constant 0 : i32
      %dma_start3A_48 = tpu.memref_slice %arg5[%add3A_41, %dma_start3A_47] : memref<128x200xi32, #tpu.memory_space<vmem>> -> memref<1x200xi32, #tpu.memory_space<vmem>>
      %dma_start3A_49 = tpu.memref_squeeze %dma_start3A_48 : memref<1x200xi32, #tpu.memory_space<vmem>> -> memref<200xi32, #tpu.memory_space<vmem>>
      %dma_start3A_50 = arith.constant 0 : i32
      %dma_start3A_51 = arith.constant 0 : i32
      %dma_start3A_52 = tpu.memref_slice %arg3[%dma_start3A_50, %dma_start3A_51] : memref<1000000x64xf32, #tpu.memory_space<hbm>> -> memref<1000000x64xf32, #tpu.memory_space<hbm>>
      tpu.enqueue_indirect_dma source(%dma_start3A_52 : memref<1000000x64xf32, #tpu.memory_space<hbm>>) target(%dma_start3A_46 : memref<200x64xf32, #tpu.memory_space<vmem>>) offsets(%dma_start3A_49 : memref<200xi32, #tpu.memory_space<vmem>>) semaphore(%arg7 : memref<!tpu.dma_semaphore, #tpu.memory_space<semaphore_mem>>)
      %mul3A_53 = arith.constant 8 : i32
      %mul3A_54 = arith.muli %scan3A_8, %mul3A_53 : i32
      %add3A_55 = arith.constant 3 : i32
      %add3A_56 = arith.addi %mul3A_54, %add3A_55 : i32
      %dma_start3A_57 = arith.constant 3 : i32
      %dma_start3A_58 = arith.constant 0 : i32
      %dma_start3A_59 = arith.constant 0 : i32
      %dma_start3A_60 = tpu.memref_slice %arg6[%dma_start3A_57, %dma_start3A_58, %dma_start3A_59] : memref<8x200x64xf32, #tpu.memory_space<vmem>> -> memref<1x200x64xf32, #tpu.memory_space<vmem>>
      %dma_start3A_61 = tpu.memref_squeeze %dma_start3A_60 : memref<1x200x64xf32, #tpu.memory_space<vmem>> -> memref<200x64xf32, #tpu.memory_space<vmem>>
      %dma_start3A_62 = arith.constant 0 : i32
      %dma_start3A_63 = tpu.memref_slice %arg5[%add3A_56, %dma_start3A_62] : memref<128x200xi32, #tpu.memory_space<vmem>> -> memref<1x200xi32, #tpu.memory_space<vmem>>
      %dma_start3A_64 = tpu.memref_squeeze %dma_start3A_63 : memref<1x200xi32, #tpu.memory_space<vmem>> -> memref<200xi32, #tpu.memory_space<vmem>>
      %dma_start3A_65 = arith.constant 0 : i32
      %dma_start3A_66 = arith.constant 0 : i32
      %dma_start3A_67 = tpu.memref_slice %arg3[%dma_start3A_65, %dma_start3A_66] : memref<1000000x64xf32, #tpu.memory_space<hbm>> -> memref<1000000x64xf32, #tpu.memory_space<hbm>>
      tpu.enqueue_indirect_dma source(%dma_start3A_67 : memref<1000000x64xf32, #tpu.memory_space<hbm>>) target(%dma_start3A_61 : memref<200x64xf32, #tpu.memory_space<vmem>>) offsets(%dma_start3A_64 : memref<200xi32, #tpu.memory_space<vmem>>) semaphore(%arg7 : memref<!tpu.dma_semaphore, #tpu.memory_space<semaphore_mem>>)
      %mul3A_68 = arith.constant 8 : i32
      %mul3A_69 = arith.muli %scan3A_8, %mul3A_68 : i32
      %add3A_70 = arith.constant 4 : i32
      %add3A_71 = arith.addi %mul3A_69, %add3A_70 : i32
      %dma_start3A_72 = arith.constant 4 : i32
      %dma_start3A_73 = arith.constant 0 : i32
      %dma_start3A_74 = arith.constant 0 : i32
      %dma_start3A_75 = tpu.memref_slice %arg6[%dma_start3A_72, %dma_start3A_73, %dma_start3A_74] : memref<8x200x64xf32, #tpu.memory_space<vmem>> -> memref<1x200x64xf32, #tpu.memory_space<vmem>>
      %dma_start3A_76 = tpu.memref_squeeze %dma_start3A_75 : memref<1x200x64xf32, #tpu.memory_space<vmem>> -> memref<200x64xf32, #tpu.memory_space<vmem>>
      %dma_start3A_77 = arith.constant 0 : i32
      %dma_start3A_78 = tpu.memref_slice %arg5[%add3A_71, %dma_start3A_77] : memref<128x200xi32, #tpu.memory_space<vmem>> -> memref<1x200xi32, #tpu.memory_space<vmem>>
      %dma_start3A_79 = tpu.memref_squeeze %dma_start3A_78 : memref<1x200xi32, #tpu.memory_space<vmem>> -> memref<200xi32, #tpu.memory_space<vmem>>
      %dma_start3A_80 = arith.constant 0 : i32
      %dma_start3A_81 = arith.constant 0 : i32
      %dma_start3A_82 = tpu.memref_slice %arg3[%dma_start3A_80, %dma_start3A_81] : memref<1000000x64xf32, #tpu.memory_space<hbm>> -> memref<1000000x64xf32, #tpu.memory_space<hbm>>
      tpu.enqueue_indirect_dma source(%dma_start3A_82 : memref<1000000x64xf32, #tpu.memory_space<hbm>>) target(%dma_start3A_76 : memref<200x64xf32, #tpu.memory_space<vmem>>) offsets(%dma_start3A_79 : memref<200xi32, #tpu.memory_space<vmem>>) semaphore(%arg7 : memref<!tpu.dma_semaphore, #tpu.memory_space<semaphore_mem>>)
      %mul3A_83 = arith.constant 8 : i32
      %mul3A_84 = arith.muli %scan3A_8, %mul3A_83 : i32
      %add3A_85 = arith.constant 5 : i32
      %add3A_86 = arith.addi %mul3A_84, %add3A_85 : i32
      %dma_start3A_87 = arith.constant 5 : i32
      %dma_start3A_88 = arith.constant 0 : i32
      %dma_start3A_89 = arith.constant 0 : i32
      %dma_start3A_90 = tpu.memref_slice %arg6[%dma_start3A_87, %dma_start3A_88, %dma_start3A_89] : memref<8x200x64xf32, #tpu.memory_space<vmem>> -> memref<1x200x64xf32, #tpu.memory_space<vmem>>
      %dma_start3A_91 = tpu.memref_squeeze %dma_start3A_90 : memref<1x200x64xf32, #tpu.memory_space<vmem>> -> memref<200x64xf32, #tpu.memory_space<vmem>>
      %dma_start3A_92 = arith.constant 0 : i32
      %dma_start3A_93 = tpu.memref_slice %arg5[%add3A_86, %dma_start3A_92] : memref<128x200xi32, #tpu.memory_space<vmem>> -> memref<1x200xi32, #tpu.memory_space<vmem>>
      %dma_start3A_94 = tpu.memref_squeeze %dma_start3A_93 : memref<1x200xi32, #tpu.memory_space<vmem>> -> memref<200xi32, #tpu.memory_space<vmem>>
      %dma_start3A_95 = arith.constant 0 : i32
      %dma_start3A_96 = arith.constant 0 : i32
      %dma_start3A_97 = tpu.memref_slice %arg3[%dma_start3A_95, %dma_start3A_96] : memref<1000000x64xf32, #tpu.memory_space<hbm>> -> memref<1000000x64xf32, #tpu.memory_space<hbm>>
      tpu.enqueue_indirect_dma source(%dma_start3A_97 : memref<1000000x64xf32, #tpu.memory_space<hbm>>) target(%dma_start3A_91 : memref<200x64xf32, #tpu.memory_space<vmem>>) offsets(%dma_start3A_94 : memref<200xi32, #tpu.memory_space<vmem>>) semaphore(%arg7 : memref<!tpu.dma_semaphore, #tpu.memory_space<semaphore_mem>>)
      %mul3A_98 = arith.constant 8 : i32
      %mul3A_99 = arith.muli %scan3A_8, %mul3A_98 : i32
      %add3A_100 = arith.constant 6 : i32
      %add3A_101 = arith.addi %mul3A_99, %add3A_100 : i32
      %dma_start3A_102 = arith.constant 6 : i32
      %dma_start3A_103 = arith.constant 0 : i32
      %dma_start3A_104 = arith.constant 0 : i32
      %dma_start3A_105 = tpu.memref_slice %arg6[%dma_start3A_102, %dma_start3A_103, %dma_start3A_104] : memref<8x200x64xf32, #tpu.memory_space<vmem>> -> memref<1x200x64xf32, #tpu.memory_space<vmem>>
      %dma_start3A_106 = tpu.memref_squeeze %dma_start3A_105 : memref<1x200x64xf32, #tpu.memory_space<vmem>> -> memref<200x64xf32, #tpu.memory_space<vmem>>
      %dma_start3A_107 = arith.constant 0 : i32
      %dma_start3A_108 = tpu.memref_slice %arg5[%add3A_101, %dma_start3A_107] : memref<128x200xi32, #tpu.memory_space<vmem>> -> memref<1x200xi32, #tpu.memory_space<vmem>>
      %dma_start3A_109 = tpu.memref_squeeze %dma_start3A_108 : memref<1x200xi32, #tpu.memory_space<vmem>> -> memref<200xi32, #tpu.memory_space<vmem>>
      %dma_start3A_110 = arith.constant 0 : i32
      %dma_start3A_111 = arith.constant 0 : i32
      %dma_start3A_112 = tpu.memref_slice %arg3[%dma_start3A_110, %dma_start3A_111] : memref<1000000x64xf32, #tpu.memory_space<hbm>> -> memref<1000000x64xf32, #tpu.memory_space<hbm>>
      tpu.enqueue_indirect_dma source(%dma_start3A_112 : memref<1000000x64xf32, #tpu.memory_space<hbm>>) target(%dma_start3A_106 : memref<200x64xf32, #tpu.memory_space<vmem>>) offsets(%dma_start3A_109 : memref<200xi32, #tpu.memory_space<vmem>>) semaphore(%arg7 : memref<!tpu.dma_semaphore, #tpu.memory_space<semaphore_mem>>)
      %mul3A_113 = arith.constant 8 : i32
      %mul3A_114 = arith.muli %scan3A_8, %mul3A_113 : i32
      %add3A_115 = arith.constant 7 : i32
      %add3A_116 = arith.addi %mul3A_114, %add3A_115 : i32
      %dma_start3A_117 = arith.constant 7 : i32
      %dma_start3A_118 = arith.constant 0 : i32
      %dma_start3A_119 = arith.constant 0 : i32
      %dma_start3A_120 = tpu.memref_slice %arg6[%dma_start3A_117, %dma_start3A_118, %dma_start3A_119] : memref<8x200x64xf32, #tpu.memory_space<vmem>> -> memref<1x200x64xf32, #tpu.memory_space<vmem>>
      %dma_start3A_121 = tpu.memref_squeeze %dma_start3A_120 : memref<1x200x64xf32, #tpu.memory_space<vmem>> -> memref<200x64xf32, #tpu.memory_space<vmem>>
      %dma_start3A_122 = arith.constant 0 : i32
      %dma_start3A_123 = tpu.memref_slice %arg5[%add3A_116, %dma_start3A_122] : memref<128x200xi32, #tpu.memory_space<vmem>> -> memref<1x200xi32, #tpu.memory_space<vmem>>
      %dma_start3A_124 = tpu.memref_squeeze %dma_start3A_123 : memref<1x200xi32, #tpu.memory_space<vmem>> -> memref<200xi32, #tpu.memory_space<vmem>>
      %dma_start3A_125 = arith.constant 0 : i32
      %dma_start3A_126 = arith.constant 0 : i32
      %dma_start3A_127 = tpu.memref_slice %arg3[%dma_start3A_125, %dma_start3A_126] : memref<1000000x64xf32, #tpu.memory_space<hbm>> -> memref<1000000x64xf32, #tpu.memory_space<hbm>>
      tpu.enqueue_indirect_dma source(%dma_start3A_127 : memref<1000000x64xf32, #tpu.memory_space<hbm>>) target(%dma_start3A_121 : memref<200x64xf32, #tpu.memory_space<vmem>>) offsets(%dma_start3A_124 : memref<200xi32, #tpu.memory_space<vmem>>) semaphore(%arg7 : memref<!tpu.dma_semaphore, #tpu.memory_space<semaphore_mem>>)
      %mul3A_128 = arith.constant 8 : i32
      %mul3A_129 = arith.muli %scan3A_8, %mul3A_128 : i32
      %add3A_130 = arith.constant 0 : i32
      %add3A_131 = arith.addi %mul3A_129, %add3A_130 : i32
      %dma_wait3A = arith.constant 0 : i32
      %dma_wait3A_132 = arith.constant 0 : i32
      %dma_wait3A_133 = arith.constant 0 : i32
      %dma_wait3A_134 = tpu.memref_slice %arg6[%dma_wait3A, %dma_wait3A_132, %dma_wait3A_133] : memref<8x200x64xf32, #tpu.memory_space<vmem>> -> memref<1x200x64xf32, #tpu.memory_space<vmem>>
      %dma_wait3A_135 = tpu.memref_squeeze %dma_wait3A_134 : memref<1x200x64xf32, #tpu.memory_space<vmem>> -> memref<200x64xf32, #tpu.memory_space<vmem>>
      %dma_wait3A_136 = arith.constant 0 : i32
      %dma_wait3A_137 = tpu.memref_slice %arg5[%add3A_131, %dma_wait3A_136] : memref<128x200xi32, #tpu.memory_space<vmem>> -> memref<1x200xi32, #tpu.memory_space<vmem>>
      %dma_wait3A_138 = tpu.memref_squeeze %dma_wait3A_137 : memref<1x200xi32, #tpu.memory_space<vmem>> -> memref<200xi32, #tpu.memory_space<vmem>>
      %dma_wait3A_139 = arith.constant 0 : i32
      %dma_wait3A_140 = arith.constant 0 : i32
      %dma_wait3A_141 = tpu.memref_slice %arg3[%dma_wait3A_139, %dma_wait3A_140] : memref<1000000x64xf32, #tpu.memory_space<hbm>> -> memref<1000000x64xf32, #tpu.memory_space<hbm>>
      tpu.wait_indirect_dma semaphore(%arg7 : memref<!tpu.dma_semaphore, #tpu.memory_space<semaphore_mem>>) src(%dma_wait3A_141 : memref<1000000x64xf32, #tpu.memory_space<hbm>>) dst(%dma_wait3A_135 : memref<200x64xf32, #tpu.memory_space<vmem>>)
      %mul3A_142 = arith.constant 8 : i32
      %mul3A_143 = arith.muli %scan3A_8, %mul3A_142 : i32
      %add3A_144 = arith.constant 1 : i32
      %add3A_145 = arith.addi %mul3A_143, %add3A_144 : i32
      %dma_wait3A_146 = arith.constant 1 : i32
      %dma_wait3A_147 = arith.constant 0 : i32
      %dma_wait3A_148 = arith.constant 0 : i32
      %dma_wait3A_149 = tpu.memref_slice %arg6[%dma_wait3A_146, %dma_wait3A_147, %dma_wait3A_148] : memref<8x200x64xf32, #tpu.memory_space<vmem>> -> memref<1x200x64xf32, #tpu.memory_space<vmem>>
      %dma_wait3A_150 = tpu.memref_squeeze %dma_wait3A_149 : memref<1x200x64xf32, #tpu.memory_space<vmem>> -> memref<200x64xf32, #tpu.memory_space<vmem>>
      %dma_wait3A_151 = arith.constant 0 : i32
      %dma_wait3A_152 = tpu.memref_slice %arg5[%add3A_145, %dma_wait3A_151] : memref<128x200xi32, #tpu.memory_space<vmem>> -> memref<1x200xi32, #tpu.memory_space<vmem>>
      %dma_wait3A_153 = tpu.memref_squeeze %dma_wait3A_152 : memref<1x200xi32, #tpu.memory_space<vmem>> -> memref<200xi32, #tpu.memory_space<vmem>>
      %dma_wait3A_154 = arith.constant 0 : i32
      %dma_wait3A_155 = arith.constant 0 : i32
      %dma_wait3A_156 = tpu.memref_slice %arg3[%dma_wait3A_154, %dma_wait3A_155] : memref<1000000x64xf32, #tpu.memory_space<hbm>> -> memref<1000000x64xf32, #tpu.memory_space<hbm>>
      tpu.wait_indirect_dma semaphore(%arg7 : memref<!tpu.dma_semaphore, #tpu.memory_space<semaphore_mem>>) src(%dma_wait3A_156 : memref<1000000x64xf32, #tpu.memory_space<hbm>>) dst(%dma_wait3A_150 : memref<200x64xf32, #tpu.memory_space<vmem>>)
      %mul3A_157 = arith.constant 8 : i32
      %mul3A_158 = arith.muli %scan3A_8, %mul3A_157 : i32
      %add3A_159 = arith.constant 2 : i32
      %add3A_160 = arith.addi %mul3A_158, %add3A_159 : i32
      %dma_wait3A_161 = arith.constant 2 : i32
      %dma_wait3A_162 = arith.constant 0 : i32
      %dma_wait3A_163 = arith.constant 0 : i32
      %dma_wait3A_164 = tpu.memref_slice %arg6[%dma_wait3A_161, %dma_wait3A_162, %dma_wait3A_163] : memref<8x200x64xf32, #tpu.memory_space<vmem>> -> memref<1x200x64xf32, #tpu.memory_space<vmem>>
      %dma_wait3A_165 = tpu.memref_squeeze %dma_wait3A_164 : memref<1x200x64xf32, #tpu.memory_space<vmem>> -> memref<200x64xf32, #tpu.memory_space<vmem>>
      %dma_wait3A_166 = arith.constant 0 : i32
      %dma_wait3A_167 = tpu.memref_slice %arg5[%add3A_160, %dma_wait3A_166] : memref<128x200xi32, #tpu.memory_space<vmem>> -> memref<1x200xi32, #tpu.memory_space<vmem>>
      %dma_wait3A_168 = tpu.memref_squeeze %dma_wait3A_167 : memref<1x200xi32, #tpu.memory_space<vmem>> -> memref<200xi32, #tpu.memory_space<vmem>>
      %dma_wait3A_169 = arith.constant 0 : i32
      %dma_wait3A_170 = arith.constant 0 : i32
      %dma_wait3A_171 = tpu.memref_slice %arg3[%dma_wait3A_169, %dma_wait3A_170] : memref<1000000x64xf32, #tpu.memory_space<hbm>> -> memref<1000000x64xf32, #tpu.memory_space<hbm>>
      tpu.wait_indirect_dma semaphore(%arg7 : memref<!tpu.dma_semaphore, #tpu.memory_space<semaphore_mem>>) src(%dma_wait3A_171 : memref<1000000x64xf32, #tpu.memory_space<hbm>>) dst(%dma_wait3A_165 : memref<200x64xf32, #tpu.memory_space<vmem>>)
      %mul3A_172 = arith.constant 8 : i32
      %mul3A_173 = arith.muli %scan3A_8, %mul3A_172 : i32
      %add3A_174 = arith.constant 3 : i32
      %add3A_175 = arith.addi %mul3A_173, %add3A_174 : i32
      %dma_wait3A_176 = arith.constant 3 : i32
      %dma_wait3A_177 = arith.constant 0 : i32
      %dma_wait3A_178 = arith.constant 0 : i32
      %dma_wait3A_179 = tpu.memref_slice %arg6[%dma_wait3A_176, %dma_wait3A_177, %dma_wait3A_178] : memref<8x200x64xf32, #tpu.memory_space<vmem>> -> memref<1x200x64xf32, #tpu.memory_space<vmem>>
      %dma_wait3A_180 = tpu.memref_squeeze %dma_wait3A_179 : memref<1x200x64xf32, #tpu.memory_space<vmem>> -> memref<200x64xf32, #tpu.memory_space<vmem>>
      %dma_wait3A_181 = arith.constant 0 : i32
      %dma_wait3A_182 = tpu.memref_slice %arg5[%add3A_175, %dma_wait3A_181] : memref<128x200xi32, #tpu.memory_space<vmem>> -> memref<1x200xi32, #tpu.memory_space<vmem>>
      %dma_wait3A_183 = tpu.memref_squeeze %dma_wait3A_182 : memref<1x200xi32, #tpu.memory_space<vmem>> -> memref<200xi32, #tpu.memory_space<vmem>>
      %dma_wait3A_184 = arith.constant 0 : i32
      %dma_wait3A_185 = arith.constant 0 : i32
      %dma_wait3A_186 = tpu.memref_slice %arg3[%dma_wait3A_184, %dma_wait3A_185] : memref<1000000x64xf32, #tpu.memory_space<hbm>> -> memref<1000000x64xf32, #tpu.memory_space<hbm>>
      tpu.wait_indirect_dma semaphore(%arg7 : memref<!tpu.dma_semaphore, #tpu.memory_space<semaphore_mem>>) src(%dma_wait3A_186 : memref<1000000x64xf32, #tpu.memory_space<hbm>>) dst(%dma_wait3A_180 : memref<200x64xf32, #tpu.memory_space<vmem>>)
      %mul3A_187 = arith.constant 8 : i32
      %mul3A_188 = arith.muli %scan3A_8, %mul3A_187 : i32
      %add3A_189 = arith.constant 4 : i32
      %add3A_190 = arith.addi %mul3A_188, %add3A_189 : i32
      %dma_wait3A_191 = arith.constant 4 : i32
      %dma_wait3A_192 = arith.constant 0 : i32
      %dma_wait3A_193 = arith.constant 0 : i32
      %dma_wait3A_194 = tpu.memref_slice %arg6[%dma_wait3A_191, %dma_wait3A_192, %dma_wait3A_193] : memref<8x200x64xf32, #tpu.memory_space<vmem>> -> memref<1x200x64xf32, #tpu.memory_space<vmem>>
      %dma_wait3A_195 = tpu.memref_squeeze %dma_wait3A_194 : memref<1x200x64xf32, #tpu.memory_space<vmem>> -> memref<200x64xf32, #tpu.memory_space<vmem>>
      %dma_wait3A_196 = arith.constant 0 : i32
      %dma_wait3A_197 = tpu.memref_slice %arg5[%add3A_190, %dma_wait3A_196] : memref<128x200xi32, #tpu.memory_space<vmem>> -> memref<1x200xi32, #tpu.memory_space<vmem>>
      %dma_wait3A_198 = tpu.memref_squeeze %dma_wait3A_197 : memref<1x200xi32, #tpu.memory_space<vmem>> -> memref<200xi32, #tpu.memory_space<vmem>>
      %dma_wait3A_199 = arith.constant 0 : i32
      %dma_wait3A_200 = arith.constant 0 : i32
      %dma_wait3A_201 = tpu.memref_slice %arg3[%dma_wait3A_199, %dma_wait3A_200] : memref<1000000x64xf32, #tpu.memory_space<hbm>> -> memref<1000000x64xf32, #tpu.memory_space<hbm>>
      tpu.wait_indirect_dma semaphore(%arg7 : memref<!tpu.dma_semaphore, #tpu.memory_space<semaphore_mem>>) src(%dma_wait3A_201 : memref<1000000x64xf32, #tpu.memory_space<hbm>>) dst(%dma_wait3A_195 : memref<200x64xf32, #tpu.memory_space<vmem>>)
      %mul3A_202 = arith.constant 8 : i32
      %mul3A_203 = arith.muli %scan3A_8, %mul3A_202 : i32
      %add3A_204 = arith.constant 5 : i32
      %add3A_205 = arith.addi %mul3A_203, %add3A_204 : i32
      %dma_wait3A_206 = arith.constant 5 : i32
      %dma_wait3A_207 = arith.constant 0 : i32
      %dma_wait3A_208 = arith.constant 0 : i32
      %dma_wait3A_209 = tpu.memref_slice %arg6[%dma_wait3A_206, %dma_wait3A_207, %dma_wait3A_208] : memref<8x200x64xf32, #tpu.memory_space<vmem>> -> memref<1x200x64xf32, #tpu.memory_space<vmem>>
      %dma_wait3A_210 = tpu.memref_squeeze %dma_wait3A_209 : memref<1x200x64xf32, #tpu.memory_space<vmem>> -> memref<200x64xf32, #tpu.memory_space<vmem>>
      %dma_wait3A_211 = arith.constant 0 : i32
      %dma_wait3A_212 = tpu.memref_slice %arg5[%add3A_205, %dma_wait3A_211] : memref<128x200xi32, #tpu.memory_space<vmem>> -> memref<1x200xi32, #tpu.memory_space<vmem>>
      %dma_wait3A_213 = tpu.memref_squeeze %dma_wait3A_212 : memref<1x200xi32, #tpu.memory_space<vmem>> -> memref<200xi32, #tpu.memory_space<vmem>>
      %dma_wait3A_214 = arith.constant 0 : i32
      %dma_wait3A_215 = arith.constant 0 : i32
      %dma_wait3A_216 = tpu.memref_slice %arg3[%dma_wait3A_214, %dma_wait3A_215] : memref<1000000x64xf32, #tpu.memory_space<hbm>> -> memref<1000000x64xf32, #tpu.memory_space<hbm>>
      tpu.wait_indirect_dma semaphore(%arg7 : memref<!tpu.dma_semaphore, #tpu.memory_space<semaphore_mem>>) src(%dma_wait3A_216 : memref<1000000x64xf32, #tpu.memory_space<hbm>>) dst(%dma_wait3A_210 : memref<200x64xf32, #tpu.memory_space<vmem>>)
      %mul3A_217 = arith.constant 8 : i32
      %mul3A_218 = arith.muli %scan3A_8, %mul3A_217 : i32
      %add3A_219 = arith.constant 6 : i32
      %add3A_220 = arith.addi %mul3A_218, %add3A_219 : i32
      %dma_wait3A_221 = arith.constant 6 : i32
      %dma_wait3A_222 = arith.constant 0 : i32
      %dma_wait3A_223 = arith.constant 0 : i32
      %dma_wait3A_224 = tpu.memref_slice %arg6[%dma_wait3A_221, %dma_wait3A_222, %dma_wait3A_223] : memref<8x200x64xf32, #tpu.memory_space<vmem>> -> memref<1x200x64xf32, #tpu.memory_space<vmem>>
      %dma_wait3A_225 = tpu.memref_squeeze %dma_wait3A_224 : memref<1x200x64xf32, #tpu.memory_space<vmem>> -> memref<200x64xf32, #tpu.memory_space<vmem>>
      %dma_wait3A_226 = arith.constant 0 : i32
      %dma_wait3A_227 = tpu.memref_slice %arg5[%add3A_220, %dma_wait3A_226] : memref<128x200xi32, #tpu.memory_space<vmem>> -> memref<1x200xi32, #tpu.memory_space<vmem>>
      %dma_wait3A_228 = tpu.memref_squeeze %dma_wait3A_227 : memref<1x200xi32, #tpu.memory_space<vmem>> -> memref<200xi32, #tpu.memory_space<vmem>>
      %dma_wait3A_229 = arith.constant 0 : i32
      %dma_wait3A_230 = arith.constant 0 : i32
      %dma_wait3A_231 = tpu.memref_slice %arg3[%dma_wait3A_229, %dma_wait3A_230] : memref<1000000x64xf32, #tpu.memory_space<hbm>> -> memref<1000000x64xf32, #tpu.memory_space<hbm>>
      tpu.wait_indirect_dma semaphore(%arg7 : memref<!tpu.dma_semaphore, #tpu.memory_space<semaphore_mem>>) src(%dma_wait3A_231 : memref<1000000x64xf32, #tpu.memory_space<hbm>>) dst(%dma_wait3A_225 : memref<200x64xf32, #tpu.memory_space<vmem>>)
      %mul3A_232 = arith.constant 8 : i32
      %mul3A_233 = arith.muli %scan3A_8, %mul3A_232 : i32
      %add3A_234 = arith.constant 7 : i32
      %add3A_235 = arith.addi %mul3A_233, %add3A_234 : i32
      %dma_wait3A_236 = arith.constant 7 : i32
      %dma_wait3A_237 = arith.constant 0 : i32
      %dma_wait3A_238 = arith.constant 0 : i32
      %dma_wait3A_239 = tpu.memref_slice %arg6[%dma_wait3A_236, %dma_wait3A_237, %dma_wait3A_238] : memref<8x200x64xf32, #tpu.memory_space<vmem>> -> memref<1x200x64xf32, #tpu.memory_space<vmem>>
      %dma_wait3A_240 = tpu.memref_squeeze %dma_wait3A_239 : memref<1x200x64xf32, #tpu.memory_space<vmem>> -> memref<200x64xf32, #tpu.memory_space<vmem>>
      %dma_wait3A_241 = arith.constant 0 : i32
      %dma_wait3A_242 = tpu.memref_slice %arg5[%add3A_235, %dma_wait3A_241] : memref<128x200xi32, #tpu.memory_space<vmem>> -> memref<1x200xi32, #tpu.memory_space<vmem>>
      %dma_wait3A_243 = tpu.memref_squeeze %dma_wait3A_242 : memref<1x200xi32, #tpu.memory_space<vmem>> -> memref<200xi32, #tpu.memory_space<vmem>>
      %dma_wait3A_244 = arith.constant 0 : i32
      %dma_wait3A_245 = arith.constant 0 : i32
      %dma_wait3A_246 = tpu.memref_slice %arg3[%dma_wait3A_244, %dma_wait3A_245] : memref<1000000x64xf32, #tpu.memory_space<hbm>> -> memref<1000000x64xf32, #tpu.memory_space<hbm>>
      tpu.wait_indirect_dma semaphore(%arg7 : memref<!tpu.dma_semaphore, #tpu.memory_space<semaphore_mem>>) src(%dma_wait3A_246 : memref<1000000x64xf32, #tpu.memory_space<hbm>>) dst(%dma_wait3A_240 : memref<200x64xf32, #tpu.memory_space<vmem>>)
      %mul3A_247 = arith.constant 8 : i32
      %mul3A_248 = arith.muli %scan3A_8, %mul3A_247 : i32
      %add3A_249 = arith.addi %mul3A_2, %mul3A_248 : i32
      %add3A_250 = arith.constant 0 : i32
      %add3A_251 = arith.addi %add3A_249, %add3A_250 : i32
      %dma_start3A_252 = arith.constant 0 : i32
      %dma_start3A_253 = arith.constant 0 : i32
      %dma_start3A_254 = arith.constant 0 : i32
      %dma_start3A_255 = tpu.memref_slice %arg6[%dma_start3A_252, %dma_start3A_253, %dma_start3A_254] : memref<8x200x64xf32, #tpu.memory_space<vmem>> -> memref<1x200x64xf32, #tpu.memory_space<vmem>>
      %dma_start3A_256 = tpu.memref_squeeze %dma_start3A_255 : memref<1x200x64xf32, #tpu.memory_space<vmem>> -> memref<200x64xf32, #tpu.memory_space<vmem>>
      %dma_start3A_257 = arith.constant 0 : i32
      %dma_start3A_258 = arith.constant 0 : i32
      %dma_start3A_259 = tpu.memref_slice %arg4[%add3A_251, %dma_start3A_257, %dma_start3A_258] : memref<4096x200x64xf32, #tpu.memory_space<hbm>> -> memref<1x200x64xf32, #tpu.memory_space<hbm>>
      %dma_start3A_260 = tpu.memref_squeeze %dma_start3A_259 : memref<1x200x64xf32, #tpu.memory_space<hbm>> -> memref<200x64xf32, #tpu.memory_space<hbm>>
      %dma_start3A_261 = arith.constant 0 : i32
      %dma_start3A_262 = arith.constant 0 : i32
      %dma_start3A_263 = tpu.memref_slice %arg4[%add3A_251, %dma_start3A_261, %dma_start3A_262] : memref<4096x200x64xf32, #tpu.memory_space<hbm>> -> memref<1x200x64xf32, #tpu.memory_space<hbm>>
      %dma_start3A_264 = tpu.memref_squeeze %dma_start3A_263 : memref<1x200x64xf32, #tpu.memory_space<hbm>> -> memref<200x64xf32, #tpu.memory_space<hbm>>
      %dma_start3A_265 = arith.constant 0 : i32
      %dma_start3A_266 = arith.constant 0 : i32
      %dma_start3A_267 = tpu.memref_slice %arg6[%dma_start3A_252, %dma_start3A_265, %dma_start3A_266] : memref<8x200x64xf32, #tpu.memory_space<vmem>> -> memref<1x200x64xf32, #tpu.memory_space<vmem>>
      %dma_start3A_268 = tpu.memref_squeeze %dma_start3A_267 : memref<1x200x64xf32, #tpu.memory_space<vmem>> -> memref<200x64xf32, #tpu.memory_space<vmem>>
      tpu.enqueue_dma source(%dma_start3A_268 : memref<200x64xf32, #tpu.memory_space<vmem>>) target(%dma_start3A_264 : memref<200x64xf32, #tpu.memory_space<hbm>>) target_semaphore(%arg8 : memref<!tpu.dma_semaphore, #tpu.memory_space<semaphore_mem>>)
      %mul3A_269 = arith.constant 8 : i32
      %mul3A_270 = arith.muli %scan3A_8, %mul3A_269 : i32
      %add3A_271 = arith.addi %mul3A_2, %mul3A_270 : i32
      %add3A_272 = arith.constant 1 : i32
      %add3A_273 = arith.addi %add3A_271, %add3A_272 : i32
      %dma_start3A_274 = arith.constant 1 : i32
      %dma_start3A_275 = arith.constant 0 : i32
      %dma_start3A_276 = arith.constant 0 : i32
      %dma_start3A_277 = tpu.memref_slice %arg6[%dma_start3A_274, %dma_start3A_275, %dma_start3A_276] : memref<8x200x64xf32, #tpu.memory_space<vmem>> -> memref<1x200x64xf32, #tpu.memory_space<vmem>>
      %dma_start3A_278 = tpu.memref_squeeze %dma_start3A_277 : memref<1x200x64xf32, #tpu.memory_space<vmem>> -> memref<200x64xf32, #tpu.memory_space<vmem>>
      %dma_start3A_279 = arith.constant 0 : i32
      %dma_start3A_280 = arith.constant 0 : i32
      %dma_start3A_281 = tpu.memref_slice %arg4[%add3A_273, %dma_start3A_279, %dma_start3A_280] : memref<4096x200x64xf32, #tpu.memory_space<hbm>> -> memref<1x200x64xf32, #tpu.memory_space<hbm>>
      %dma_start3A_282 = tpu.memref_squeeze %dma_start3A_281 : memref<1x200x64xf32, #tpu.memory_space<hbm>> -> memref<200x64xf32, #tpu.memory_space<hbm>>
      %dma_start3A_283 = arith.constant 0 : i32
      %dma_start3A_284 = arith.constant 0 : i32
      %dma_start3A_285 = tpu.memref_slice %arg4[%add3A_273, %dma_start3A_283, %dma_start3A_284] : memref<4096x200x64xf32, #tpu.memory_space<hbm>> -> memref<1x200x64xf32, #tpu.memory_space<hbm>>
      %dma_start3A_286 = tpu.memref_squeeze %dma_start3A_285 : memref<1x200x64xf32, #tpu.memory_space<hbm>> -> memref<200x64xf32, #tpu.memory_space<hbm>>
      %dma_start3A_287 = arith.constant 0 : i32
      %dma_start3A_288 = arith.constant 0 : i32
      %dma_start3A_289 = tpu.memref_slice %arg6[%dma_start3A_274, %dma_start3A_287, %dma_start3A_288] : memref<8x200x64xf32, #tpu.memory_space<vmem>> -> memref<1x200x64xf32, #tpu.memory_space<vmem>>
      %dma_start3A_290 = tpu.memref_squeeze %dma_start3A_289 : memref<1x200x64xf32, #tpu.memory_space<vmem>> -> memref<200x64xf32, #tpu.memory_space<vmem>>
      tpu.enqueue_dma source(%dma_start3A_290 : memref<200x64xf32, #tpu.memory_space<vmem>>) target(%dma_start3A_286 : memref<200x64xf32, #tpu.memory_space<hbm>>) target_semaphore(%arg8 : memref<!tpu.dma_semaphore, #tpu.memory_space<semaphore_mem>>)
      %mul3A_291 = arith.constant 8 : i32
      %mul3A_292 = arith.muli %scan3A_8, %mul3A_291 : i32
      %add3A_293 = arith.addi %mul3A_2, %mul3A_292 : i32
      %add3A_294 = arith.constant 2 : i32
      %add3A_295 = arith.addi %add3A_293, %add3A_294 : i32
      %dma_start3A_296 = arith.constant 2 : i32
      %dma_start3A_297 = arith.constant 0 : i32
      %dma_start3A_298 = arith.constant 0 : i32
      %dma_start3A_299 = tpu.memref_slice %arg6[%dma_start3A_296, %dma_start3A_297, %dma_start3A_298] : memref<8x200x64xf32, #tpu.memory_space<vmem>> -> memref<1x200x64xf32, #tpu.memory_space<vmem>>
      %dma_start3A_300 = tpu.memref_squeeze %dma_start3A_299 : memref<1x200x64xf32, #tpu.memory_space<vmem>> -> memref<200x64xf32, #tpu.memory_space<vmem>>
      %dma_start3A_301 = arith.constant 0 : i32
      %dma_start3A_302 = arith.constant 0 : i32
      %dma_start3A_303 = tpu.memref_slice %arg4[%add3A_295, %dma_start3A_301, %dma_start3A_302] : memref<4096x200x64xf32, #tpu.memory_space<hbm>> -> memref<1x200x64xf32, #tpu.memory_space<hbm>>
      %dma_start3A_304 = tpu.memref_squeeze %dma_start3A_303 : memref<1x200x64xf32, #tpu.memory_space<hbm>> -> memref<200x64xf32, #tpu.memory_space<hbm>>
      %dma_start3A_305 = arith.constant 0 : i32
      %dma_start3A_306 = arith.constant 0 : i32
      %dma_start3A_307 = tpu.memref_slice %arg4[%add3A_295, %dma_start3A_305, %dma_start3A_306] : memref<4096x200x64xf32, #tpu.memory_space<hbm>> -> memref<1x200x64xf32, #tpu.memory_space<hbm>>
      %dma_start3A_308 = tpu.memref_squeeze %dma_start3A_307 : memref<1x200x64xf32, #tpu.memory_space<hbm>> -> memref<200x64xf32, #tpu.memory_space<hbm>>
      %dma_start3A_309 = arith.constant 0 : i32
      %dma_start3A_310 = arith.constant 0 : i32
      %dma_start3A_311 = tpu.memref_slice %arg6[%dma_start3A_296, %dma_start3A_309, %dma_start3A_310] : memref<8x200x64xf32, #tpu.memory_space<vmem>> -> memref<1x200x64xf32, #tpu.memory_space<vmem>>
      %dma_start3A_312 = tpu.memref_squeeze %dma_start3A_311 : memref<1x200x64xf32, #tpu.memory_space<vmem>> -> memref<200x64xf32, #tpu.memory_space<vmem>>
      tpu.enqueue_dma source(%dma_start3A_312 : memref<200x64xf32, #tpu.memory_space<vmem>>) target(%dma_start3A_308 : memref<200x64xf32, #tpu.memory_space<hbm>>) target_semaphore(%arg8 : memref<!tpu.dma_semaphore, #tpu.memory_space<semaphore_mem>>)
      %mul3A_313 = arith.constant 8 : i32
      %mul3A_314 = arith.muli %scan3A_8, %mul3A_313 : i32
      %add3A_315 = arith.addi %mul3A_2, %mul3A_314 : i32
      %add3A_316 = arith.constant 3 : i32
      %add3A_317 = arith.addi %add3A_315, %add3A_316 : i32
      %dma_start3A_318 = arith.constant 3 : i32
      %dma_start3A_319 = arith.constant 0 : i32
      %dma_start3A_320 = arith.constant 0 : i32
      %dma_start3A_321 = tpu.memref_slice %arg6[%dma_start3A_318, %dma_start3A_319, %dma_start3A_320] : memref<8x200x64xf32, #tpu.memory_space<vmem>> -> memref<1x200x64xf32, #tpu.memory_space<vmem>>
      %dma_start3A_322 = tpu.memref_squeeze %dma_start3A_321 : memref<1x200x64xf32, #tpu.memory_space<vmem>> -> memref<200x64xf32, #tpu.memory_space<vmem>>
      %dma_start3A_323 = arith.constant 0 : i32
      %dma_start3A_324 = arith.constant 0 : i32
      %dma_start3A_325 = tpu.memref_slice %arg4[%add3A_317, %dma_start3A_323, %dma_start3A_324] : memref<4096x200x64xf32, #tpu.memory_space<hbm>> -> memref<1x200x64xf32, #tpu.memory_space<hbm>>
      %dma_start3A_326 = tpu.memref_squeeze %dma_start3A_325 : memref<1x200x64xf32, #tpu.memory_space<hbm>> -> memref<200x64xf32, #tpu.memory_space<hbm>>
      %dma_start3A_327 = arith.constant 0 : i32
      %dma_start3A_328 = arith.constant 0 : i32
      %dma_start3A_329 = tpu.memref_slice %arg4[%add3A_317, %dma_start3A_327, %dma_start3A_328] : memref<4096x200x64xf32, #tpu.memory_space<hbm>> -> memref<1x200x64xf32, #tpu.memory_space<hbm>>
      %dma_start3A_330 = tpu.memref_squeeze %dma_start3A_329 : memref<1x200x64xf32, #tpu.memory_space<hbm>> -> memref<200x64xf32, #tpu.memory_space<hbm>>
      %dma_start3A_331 = arith.constant 0 : i32
      %dma_start3A_332 = arith.constant 0 : i32
      %dma_start3A_333 = tpu.memref_slice %arg6[%dma_start3A_318, %dma_start3A_331, %dma_start3A_332] : memref<8x200x64xf32, #tpu.memory_space<vmem>> -> memref<1x200x64xf32, #tpu.memory_space<vmem>>
      %dma_start3A_334 = tpu.memref_squeeze %dma_start3A_333 : memref<1x200x64xf32, #tpu.memory_space<vmem>> -> memref<200x64xf32, #tpu.memory_space<vmem>>
      tpu.enqueue_dma source(%dma_start3A_334 : memref<200x64xf32, #tpu.memory_space<vmem>>) target(%dma_start3A_330 : memref<200x64xf32, #tpu.memory_space<hbm>>) target_semaphore(%arg8 : memref<!tpu.dma_semaphore, #tpu.memory_space<semaphore_mem>>)
      %mul3A_335 = arith.constant 8 : i32
      %mul3A_336 = arith.muli %scan3A_8, %mul3A_335 : i32
      %add3A_337 = arith.addi %mul3A_2, %mul3A_336 : i32
      %add3A_338 = arith.constant 4 : i32
      %add3A_339 = arith.addi %add3A_337, %add3A_338 : i32
      %dma_start3A_340 = arith.constant 4 : i32
      %dma_start3A_341 = arith.constant 0 : i32
      %dma_start3A_342 = arith.constant 0 : i32
      %dma_start3A_343 = tpu.memref_slice %arg6[%dma_start3A_340, %dma_start3A_341, %dma_start3A_342] : memref<8x200x64xf32, #tpu.memory_space<vmem>> -> memref<1x200x64xf32, #tpu.memory_space<vmem>>
      %dma_start3A_344 = tpu.memref_squeeze %dma_start3A_343 : memref<1x200x64xf32, #tpu.memory_space<vmem>> -> memref<200x64xf32, #tpu.memory_space<vmem>>
      %dma_start3A_345 = arith.constant 0 : i32
      %dma_start3A_346 = arith.constant 0 : i32
      %dma_start3A_347 = tpu.memref_slice %arg4[%add3A_339, %dma_start3A_345, %dma_start3A_346] : memref<4096x200x64xf32, #tpu.memory_space<hbm>> -> memref<1x200x64xf32, #tpu.memory_space<hbm>>
      %dma_start3A_348 = tpu.memref_squeeze %dma_start3A_347 : memref<1x200x64xf32, #tpu.memory_space<hbm>> -> memref<200x64xf32, #tpu.memory_space<hbm>>
      %dma_start3A_349 = arith.constant 0 : i32
      %dma_start3A_350 = arith.constant 0 : i32
      %dma_start3A_351 = tpu.memref_slice %arg4[%add3A_339, %dma_start3A_349, %dma_start3A_350] : memref<4096x200x64xf32, #tpu.memory_space<hbm>> -> memref<1x200x64xf32, #tpu.memory_space<hbm>>
      %dma_start3A_352 = tpu.memref_squeeze %dma_start3A_351 : memref<1x200x64xf32, #tpu.memory_space<hbm>> -> memref<200x64xf32, #tpu.memory_space<hbm>>
      %dma_start3A_353 = arith.constant 0 : i32
      %dma_start3A_354 = arith.constant 0 : i32
      %dma_start3A_355 = tpu.memref_slice %arg6[%dma_start3A_340, %dma_start3A_353, %dma_start3A_354] : memref<8x200x64xf32, #tpu.memory_space<vmem>> -> memref<1x200x64xf32, #tpu.memory_space<vmem>>
      %dma_start3A_356 = tpu.memref_squeeze %dma_start3A_355 : memref<1x200x64xf32, #tpu.memory_space<vmem>> -> memref<200x64xf32, #tpu.memory_space<vmem>>
      tpu.enqueue_dma source(%dma_start3A_356 : memref<200x64xf32, #tpu.memory_space<vmem>>) target(%dma_start3A_352 : memref<200x64xf32, #tpu.memory_space<hbm>>) target_semaphore(%arg8 : memref<!tpu.dma_semaphore, #tpu.memory_space<semaphore_mem>>)
      %mul3A_357 = arith.constant 8 : i32
      %mul3A_358 = arith.muli %scan3A_8, %mul3A_357 : i32
      %add3A_359 = arith.addi %mul3A_2, %mul3A_358 : i32
      %add3A_360 = arith.constant 5 : i32
      %add3A_361 = arith.addi %add3A_359, %add3A_360 : i32
      %dma_start3A_362 = arith.constant 5 : i32
      %dma_start3A_363 = arith.constant 0 : i32
      %dma_start3A_364 = arith.constant 0 : i32
      %dma_start3A_365 = tpu.memref_slice %arg6[%dma_start3A_362, %dma_start3A_363, %dma_start3A_364] : memref<8x200x64xf32, #tpu.memory_space<vmem>> -> memref<1x200x64xf32, #tpu.memory_space<vmem>>
      %dma_start3A_366 = tpu.memref_squeeze %dma_start3A_365 : memref<1x200x64xf32, #tpu.memory_space<vmem>> -> memref<200x64xf32, #tpu.memory_space<vmem>>
      %dma_start3A_367 = arith.constant 0 : i32
      %dma_start3A_368 = arith.constant 0 : i32
      %dma_start3A_369 = tpu.memref_slice %arg4[%add3A_361, %dma_start3A_367, %dma_start3A_368] : memref<4096x200x64xf32, #tpu.memory_space<hbm>> -> memref<1x200x64xf32, #tpu.memory_space<hbm>>
      %dma_start3A_370 = tpu.memref_squeeze %dma_start3A_369 : memref<1x200x64xf32, #tpu.memory_space<hbm>> -> memref<200x64xf32, #tpu.memory_space<hbm>>
      %dma_start3A_371 = arith.constant 0 : i32
      %dma_start3A_372 = arith.constant 0 : i32
      %dma_start3A_373 = tpu.memref_slice %arg4[%add3A_361, %dma_start3A_371, %dma_start3A_372] : memref<4096x200x64xf32, #tpu.memory_space<hbm>> -> memref<1x200x64xf32, #tpu.memory_space<hbm>>
      %dma_start3A_374 = tpu.memref_squeeze %dma_start3A_373 : memref<1x200x64xf32, #tpu.memory_space<hbm>> -> memref<200x64xf32, #tpu.memory_space<hbm>>
      %dma_start3A_375 = arith.constant 0 : i32
      %dma_start3A_376 = arith.constant 0 : i32
      %dma_start3A_377 = tpu.memref_slice %arg6[%dma_start3A_362, %dma_start3A_375, %dma_start3A_376] : memref<8x200x64xf32, #tpu.memory_space<vmem>> -> memref<1x200x64xf32, #tpu.memory_space<vmem>>
      %dma_start3A_378 = tpu.memref_squeeze %dma_start3A_377 : memref<1x200x64xf32, #tpu.memory_space<vmem>> -> memref<200x64xf32, #tpu.memory_space<vmem>>
      tpu.enqueue_dma source(%dma_start3A_378 : memref<200x64xf32, #tpu.memory_space<vmem>>) target(%dma_start3A_374 : memref<200x64xf32, #tpu.memory_space<hbm>>) target_semaphore(%arg8 : memref<!tpu.dma_semaphore, #tpu.memory_space<semaphore_mem>>)
      %mul3A_379 = arith.constant 8 : i32
      %mul3A_380 = arith.muli %scan3A_8, %mul3A_379 : i32
      %add3A_381 = arith.addi %mul3A_2, %mul3A_380 : i32
      %add3A_382 = arith.constant 6 : i32
      %add3A_383 = arith.addi %add3A_381, %add3A_382 : i32
      %dma_start3A_384 = arith.constant 6 : i32
      %dma_start3A_385 = arith.constant 0 : i32
      %dma_start3A_386 = arith.constant 0 : i32
      %dma_start3A_387 = tpu.memref_slice %arg6[%dma_start3A_384, %dma_start3A_385, %dma_start3A_386] : memref<8x200x64xf32, #tpu.memory_space<vmem>> -> memref<1x200x64xf32, #tpu.memory_space<vmem>>
      %dma_start3A_388 = tpu.memref_squeeze %dma_start3A_387 : memref<1x200x64xf32, #tpu.memory_space<vmem>> -> memref<200x64xf32, #tpu.memory_space<vmem>>
      %dma_start3A_389 = arith.constant 0 : i32
      %dma_start3A_390 = arith.constant 0 : i32
      %dma_start3A_391 = tpu.memref_slice %arg4[%add3A_383, %dma_start3A_389, %dma_start3A_390] : memref<4096x200x64xf32, #tpu.memory_space<hbm>> -> memref<1x200x64xf32, #tpu.memory_space<hbm>>
      %dma_start3A_392 = tpu.memref_squeeze %dma_start3A_391 : memref<1x200x64xf32, #tpu.memory_space<hbm>> -> memref<200x64xf32, #tpu.memory_space<hbm>>
      %dma_start3A_393 = arith.constant 0 : i32
      %dma_start3A_394 = arith.constant 0 : i32
      %dma_start3A_395 = tpu.memref_slice %arg4[%add3A_383, %dma_start3A_393, %dma_start3A_394] : memref<4096x200x64xf32, #tpu.memory_space<hbm>> -> memref<1x200x64xf32, #tpu.memory_space<hbm>>
      %dma_start3A_396 = tpu.memref_squeeze %dma_start3A_395 : memref<1x200x64xf32, #tpu.memory_space<hbm>> -> memref<200x64xf32, #tpu.memory_space<hbm>>
      %dma_start3A_397 = arith.constant 0 : i32
      %dma_start3A_398 = arith.constant 0 : i32
      %dma_start3A_399 = tpu.memref_slice %arg6[%dma_start3A_384, %dma_start3A_397, %dma_start3A_398] : memref<8x200x64xf32, #tpu.memory_space<vmem>> -> memref<1x200x64xf32, #tpu.memory_space<vmem>>
      %dma_start3A_400 = tpu.memref_squeeze %dma_start3A_399 : memref<1x200x64xf32, #tpu.memory_space<vmem>> -> memref<200x64xf32, #tpu.memory_space<vmem>>
      tpu.enqueue_dma source(%dma_start3A_400 : memref<200x64xf32, #tpu.memory_space<vmem>>) target(%dma_start3A_396 : memref<200x64xf32, #tpu.memory_space<hbm>>) target_semaphore(%arg8 : memref<!tpu.dma_semaphore, #tpu.memory_space<semaphore_mem>>)
      %mul3A_401 = arith.constant 8 : i32
      %mul3A_402 = arith.muli %scan3A_8, %mul3A_401 : i32
      %add3A_403 = arith.addi %mul3A_2, %mul3A_402 : i32
      %add3A_404 = arith.constant 7 : i32
      %add3A_405 = arith.addi %add3A_403, %add3A_404 : i32
      %dma_start3A_406 = arith.constant 7 : i32
      %dma_start3A_407 = arith.constant 0 : i32
      %dma_start3A_408 = arith.constant 0 : i32
      %dma_start3A_409 = tpu.memref_slice %arg6[%dma_start3A_406, %dma_start3A_407, %dma_start3A_408] : memref<8x200x64xf32, #tpu.memory_space<vmem>> -> memref<1x200x64xf32, #tpu.memory_space<vmem>>
      %dma_start3A_410 = tpu.memref_squeeze %dma_start3A_409 : memref<1x200x64xf32, #tpu.memory_space<vmem>> -> memref<200x64xf32, #tpu.memory_space<vmem>>
      %dma_start3A_411 = arith.constant 0 : i32
      %dma_start3A_412 = arith.constant 0 : i32
      %dma_start3A_413 = tpu.memref_slice %arg4[%add3A_405, %dma_start3A_411, %dma_start3A_412] : memref<4096x200x64xf32, #tpu.memory_space<hbm>> -> memref<1x200x64xf32, #tpu.memory_space<hbm>>
      %dma_start3A_414 = tpu.memref_squeeze %dma_start3A_413 : memref<1x200x64xf32, #tpu.memory_space<hbm>> -> memref<200x64xf32, #tpu.memory_space<hbm>>
      %dma_start3A_415 = arith.constant 0 : i32
      %dma_start3A_416 = arith.constant 0 : i32
      %dma_start3A_417 = tpu.memref_slice %arg4[%add3A_405, %dma_start3A_415, %dma_start3A_416] : memref<4096x200x64xf32, #tpu.memory_space<hbm>> -> memref<1x200x64xf32, #tpu.memory_space<hbm>>
      %dma_start3A_418 = tpu.memref_squeeze %dma_start3A_417 : memref<1x200x64xf32, #tpu.memory_space<hbm>> -> memref<200x64xf32, #tpu.memory_space<hbm>>
      %dma_start3A_419 = arith.constant 0 : i32
      %dma_start3A_420 = arith.constant 0 : i32
      %dma_start3A_421 = tpu.memref_slice %arg6[%dma_start3A_406, %dma_start3A_419, %dma_start3A_420] : memref<8x200x64xf32, #tpu.memory_space<vmem>> -> memref<1x200x64xf32, #tpu.memory_space<vmem>>
      %dma_start3A_422 = tpu.memref_squeeze %dma_start3A_421 : memref<1x200x64xf32, #tpu.memory_space<vmem>> -> memref<200x64xf32, #tpu.memory_space<vmem>>
      tpu.enqueue_dma source(%dma_start3A_422 : memref<200x64xf32, #tpu.memory_space<vmem>>) target(%dma_start3A_418 : memref<200x64xf32, #tpu.memory_space<hbm>>) target_semaphore(%arg8 : memref<!tpu.dma_semaphore, #tpu.memory_space<semaphore_mem>>)
      %mul3A_423 = arith.constant 8 : i32
      %mul3A_424 = arith.muli %scan3A_8, %mul3A_423 : i32
      %add3A_425 = arith.addi %mul3A_2, %mul3A_424 : i32
      %add3A_426 = arith.constant 0 : i32
      %add3A_427 = arith.addi %add3A_425, %add3A_426 : i32
      %dma_wait3A_428 = arith.constant 0 : i32
      %dma_wait3A_429 = arith.constant 0 : i32
      %dma_wait3A_430 = arith.constant 0 : i32
      %dma_wait3A_431 = tpu.memref_slice %arg6[%dma_wait3A_428, %dma_wait3A_429, %dma_wait3A_430] : memref<8x200x64xf32, #tpu.memory_space<vmem>> -> memref<1x200x64xf32, #tpu.memory_space<vmem>>
      %dma_wait3A_432 = tpu.memref_squeeze %dma_wait3A_431 : memref<1x200x64xf32, #tpu.memory_space<vmem>> -> memref<200x64xf32, #tpu.memory_space<vmem>>
      %dma_wait3A_433 = arith.constant 0 : i32
      %dma_wait3A_434 = arith.constant 0 : i32
      %dma_wait3A_435 = tpu.memref_slice %arg4[%add3A_427, %dma_wait3A_433, %dma_wait3A_434] : memref<4096x200x64xf32, #tpu.memory_space<hbm>> -> memref<1x200x64xf32, #tpu.memory_space<hbm>>
      %dma_wait3A_436 = tpu.memref_squeeze %dma_wait3A_435 : memref<1x200x64xf32, #tpu.memory_space<hbm>> -> memref<200x64xf32, #tpu.memory_space<hbm>>
      %dma_wait3A_437 = arith.constant 0 : i32
      %dma_wait3A_438 = arith.constant 0 : i32
      %dma_wait3A_439 = tpu.memref_slice %arg4[%add3A_427, %dma_wait3A_437, %dma_wait3A_438] : memref<4096x200x64xf32, #tpu.memory_space<hbm>> -> memref<1x200x64xf32, #tpu.memory_space<hbm>>
      %dma_wait3A_440 = tpu.memref_squeeze %dma_wait3A_439 : memref<1x200x64xf32, #tpu.memory_space<hbm>> -> memref<200x64xf32, #tpu.memory_space<hbm>>
      %dma_wait3A_441 = arith.constant 0 : i32
      %dma_wait3A_442 = arith.constant 0 : i32
      %dma_wait3A_443 = tpu.memref_slice %arg6[%dma_wait3A_428, %dma_wait3A_441, %dma_wait3A_442] : memref<8x200x64xf32, #tpu.memory_space<vmem>> -> memref<1x200x64xf32, #tpu.memory_space<vmem>>
      %dma_wait3A_444 = tpu.memref_squeeze %dma_wait3A_443 : memref<1x200x64xf32, #tpu.memory_space<vmem>> -> memref<200x64xf32, #tpu.memory_space<vmem>>
      tpu.wait_dma2 semaphore(%arg8 : memref<!tpu.dma_semaphore, #tpu.memory_space<semaphore_mem>>) src(%dma_wait3A_444 : memref<200x64xf32, #tpu.memory_space<vmem>>) dst(%dma_wait3A_440 : memref<200x64xf32, #tpu.memory_space<hbm>>)
      %mul3A_445 = arith.constant 8 : i32
      %mul3A_446 = arith.muli %scan3A_8, %mul3A_445 : i32
      %add3A_447 = arith.addi %mul3A_2, %mul3A_446 : i32
      %add3A_448 = arith.constant 1 : i32
      %add3A_449 = arith.addi %add3A_447, %add3A_448 : i32
      %dma_wait3A_450 = arith.constant 1 : i32
      %dma_wait3A_451 = arith.constant 0 : i32
      %dma_wait3A_452 = arith.constant 0 : i32
      %dma_wait3A_453 = tpu.memref_slice %arg6[%dma_wait3A_450, %dma_wait3A_451, %dma_wait3A_452] : memref<8x200x64xf32, #tpu.memory_space<vmem>> -> memref<1x200x64xf32, #tpu.memory_space<vmem>>
      %dma_wait3A_454 = tpu.memref_squeeze %dma_wait3A_453 : memref<1x200x64xf32, #tpu.memory_space<vmem>> -> memref<200x64xf32, #tpu.memory_space<vmem>>
      %dma_wait3A_455 = arith.constant 0 : i32
      %dma_wait3A_456 = arith.constant 0 : i32
      %dma_wait3A_457 = tpu.memref_slice %arg4[%add3A_449, %dma_wait3A_455, %dma_wait3A_456] : memref<4096x200x64xf32, #tpu.memory_space<hbm>> -> memref<1x200x64xf32, #tpu.memory_space<hbm>>
      %dma_wait3A_458 = tpu.memref_squeeze %dma_wait3A_457 : memref<1x200x64xf32, #tpu.memory_space<hbm>> -> memref<200x64xf32, #tpu.memory_space<hbm>>
      %dma_wait3A_459 = arith.constant 0 : i32
      %dma_wait3A_460 = arith.constant 0 : i32
      %dma_wait3A_461 = tpu.memref_slice %arg4[%add3A_449, %dma_wait3A_459, %dma_wait3A_460] : memref<4096x200x64xf32, #tpu.memory_space<hbm>> -> memref<1x200x64xf32, #tpu.memory_space<hbm>>
      %dma_wait3A_462 = tpu.memref_squeeze %dma_wait3A_461 : memref<1x200x64xf32, #tpu.memory_space<hbm>> -> memref<200x64xf32, #tpu.memory_space<hbm>>
      %dma_wait3A_463 = arith.constant 0 : i32
      %dma_wait3A_464 = arith.constant 0 : i32
      %dma_wait3A_465 = tpu.memref_slice %arg6[%dma_wait3A_450, %dma_wait3A_463, %dma_wait3A_464] : memref<8x200x64xf32, #tpu.memory_space<vmem>> -> memref<1x200x64xf32, #tpu.memory_space<vmem>>
      %dma_wait3A_466 = tpu.memref_squeeze %dma_wait3A_465 : memref<1x200x64xf32, #tpu.memory_space<vmem>> -> memref<200x64xf32, #tpu.memory_space<vmem>>
      tpu.wait_dma2 semaphore(%arg8 : memref<!tpu.dma_semaphore, #tpu.memory_space<semaphore_mem>>) src(%dma_wait3A_466 : memref<200x64xf32, #tpu.memory_space<vmem>>) dst(%dma_wait3A_462 : memref<200x64xf32, #tpu.memory_space<hbm>>)
      %mul3A_467 = arith.constant 8 : i32
      %mul3A_468 = arith.muli %scan3A_8, %mul3A_467 : i32
      %add3A_469 = arith.addi %mul3A_2, %mul3A_468 : i32
      %add3A_470 = arith.constant 2 : i32
      %add3A_471 = arith.addi %add3A_469, %add3A_470 : i32
      %dma_wait3A_472 = arith.constant 2 : i32
      %dma_wait3A_473 = arith.constant 0 : i32
      %dma_wait3A_474 = arith.constant 0 : i32
      %dma_wait3A_475 = tpu.memref_slice %arg6[%dma_wait3A_472, %dma_wait3A_473, %dma_wait3A_474] : memref<8x200x64xf32, #tpu.memory_space<vmem>> -> memref<1x200x64xf32, #tpu.memory_space<vmem>>
      %dma_wait3A_476 = tpu.memref_squeeze %dma_wait3A_475 : memref<1x200x64xf32, #tpu.memory_space<vmem>> -> memref<200x64xf32, #tpu.memory_space<vmem>>
      %dma_wait3A_477 = arith.constant 0 : i32
      %dma_wait3A_478 = arith.constant 0 : i32
      %dma_wait3A_479 = tpu.memref_slice %arg4[%add3A_471, %dma_wait3A_477, %dma_wait3A_478] : memref<4096x200x64xf32, #tpu.memory_space<hbm>> -> memref<1x200x64xf32, #tpu.memory_space<hbm>>
      %dma_wait3A_480 = tpu.memref_squeeze %dma_wait3A_479 : memref<1x200x64xf32, #tpu.memory_space<hbm>> -> memref<200x64xf32, #tpu.memory_space<hbm>>
      %dma_wait3A_481 = arith.constant 0 : i32
      %dma_wait3A_482 = arith.constant 0 : i32
      %dma_wait3A_483 = tpu.memref_slice %arg4[%add3A_471, %dma_wait3A_481, %dma_wait3A_482] : memref<4096x200x64xf32, #tpu.memory_space<hbm>> -> memref<1x200x64xf32, #tpu.memory_space<hbm>>
      %dma_wait3A_484 = tpu.memref_squeeze %dma_wait3A_483 : memref<1x200x64xf32, #tpu.memory_space<hbm>> -> memref<200x64xf32, #tpu.memory_space<hbm>>
      %dma_wait3A_485 = arith.constant 0 : i32
      %dma_wait3A_486 = arith.constant 0 : i32
      %dma_wait3A_487 = tpu.memref_slice %arg6[%dma_wait3A_472, %dma_wait3A_485, %dma_wait3A_486] : memref<8x200x64xf32, #tpu.memory_space<vmem>> -> memref<1x200x64xf32, #tpu.memory_space<vmem>>
      %dma_wait3A_488 = tpu.memref_squeeze %dma_wait3A_487 : memref<1x200x64xf32, #tpu.memory_space<vmem>> -> memref<200x64xf32, #tpu.memory_space<vmem>>
      tpu.wait_dma2 semaphore(%arg8 : memref<!tpu.dma_semaphore, #tpu.memory_space<semaphore_mem>>) src(%dma_wait3A_488 : memref<200x64xf32, #tpu.memory_space<vmem>>) dst(%dma_wait3A_484 : memref<200x64xf32, #tpu.memory_space<hbm>>)
      %mul3A_489 = arith.constant 8 : i32
      %mul3A_490 = arith.muli %scan3A_8, %mul3A_489 : i32
      %add3A_491 = arith.addi %mul3A_2, %mul3A_490 : i32
      %add3A_492 = arith.constant 3 : i32
      %add3A_493 = arith.addi %add3A_491, %add3A_492 : i32
      %dma_wait3A_494 = arith.constant 3 : i32
      %dma_wait3A_495 = arith.constant 0 : i32
      %dma_wait3A_496 = arith.constant 0 : i32
      %dma_wait3A_497 = tpu.memref_slice %arg6[%dma_wait3A_494, %dma_wait3A_495, %dma_wait3A_496] : memref<8x200x64xf32, #tpu.memory_space<vmem>> -> memref<1x200x64xf32, #tpu.memory_space<vmem>>
      %dma_wait3A_498 = tpu.memref_squeeze %dma_wait3A_497 : memref<1x200x64xf32, #tpu.memory_space<vmem>> -> memref<200x64xf32, #tpu.memory_space<vmem>>
      %dma_wait3A_499 = arith.constant 0 : i32
      %dma_wait3A_500 = arith.constant 0 : i32
      %dma_wait3A_501 = tpu.memref_slice %arg4[%add3A_493, %dma_wait3A_499, %dma_wait3A_500] : memref<4096x200x64xf32, #tpu.memory_space<hbm>> -> memref<1x200x64xf32, #tpu.memory_space<hbm>>
      %dma_wait3A_502 = tpu.memref_squeeze %dma_wait3A_501 : memref<1x200x64xf32, #tpu.memory_space<hbm>> -> memref<200x64xf32, #tpu.memory_space<hbm>>
      %dma_wait3A_503 = arith.constant 0 : i32
      %dma_wait3A_504 = arith.constant 0 : i32
      %dma_wait3A_505 = tpu.memref_slice %arg4[%add3A_493, %dma_wait3A_503, %dma_wait3A_504] : memref<4096x200x64xf32, #tpu.memory_space<hbm>> -> memref<1x200x64xf32, #tpu.memory_space<hbm>>
      %dma_wait3A_506 = tpu.memref_squeeze %dma_wait3A_505 : memref<1x200x64xf32, #tpu.memory_space<hbm>> -> memref<200x64xf32, #tpu.memory_space<hbm>>
      %dma_wait3A_507 = arith.constant 0 : i32
      %dma_wait3A_508 = arith.constant 0 : i32
      %dma_wait3A_509 = tpu.memref_slice %arg6[%dma_wait3A_494, %dma_wait3A_507, %dma_wait3A_508] : memref<8x200x64xf32, #tpu.memory_space<vmem>> -> memref<1x200x64xf32, #tpu.memory_space<vmem>>
      %dma_wait3A_510 = tpu.memref_squeeze %dma_wait3A_509 : memref<1x200x64xf32, #tpu.memory_space<vmem>> -> memref<200x64xf32, #tpu.memory_space<vmem>>
      tpu.wait_dma2 semaphore(%arg8 : memref<!tpu.dma_semaphore, #tpu.memory_space<semaphore_mem>>) src(%dma_wait3A_510 : memref<200x64xf32, #tpu.memory_space<vmem>>) dst(%dma_wait3A_506 : memref<200x64xf32, #tpu.memory_space<hbm>>)
      %mul3A_511 = arith.constant 8 : i32
      %mul3A_512 = arith.muli %scan3A_8, %mul3A_511 : i32
      %add3A_513 = arith.addi %mul3A_2, %mul3A_512 : i32
      %add3A_514 = arith.constant 4 : i32
      %add3A_515 = arith.addi %add3A_513, %add3A_514 : i32
      %dma_wait3A_516 = arith.constant 4 : i32
      %dma_wait3A_517 = arith.constant 0 : i32
      %dma_wait3A_518 = arith.constant 0 : i32
      %dma_wait3A_519 = tpu.memref_slice %arg6[%dma_wait3A_516, %dma_wait3A_517, %dma_wait3A_518] : memref<8x200x64xf32, #tpu.memory_space<vmem>> -> memref<1x200x64xf32, #tpu.memory_space<vmem>>
      %dma_wait3A_520 = tpu.memref_squeeze %dma_wait3A_519 : memref<1x200x64xf32, #tpu.memory_space<vmem>> -> memref<200x64xf32, #tpu.memory_space<vmem>>
      %dma_wait3A_521 = arith.constant 0 : i32
      %dma_wait3A_522 = arith.constant 0 : i32
      %dma_wait3A_523 = tpu.memref_slice %arg4[%add3A_515, %dma_wait3A_521, %dma_wait3A_522] : memref<4096x200x64xf32, #tpu.memory_space<hbm>> -> memref<1x200x64xf32, #tpu.memory_space<hbm>>
      %dma_wait3A_524 = tpu.memref_squeeze %dma_wait3A_523 : memref<1x200x64xf32, #tpu.memory_space<hbm>> -> memref<200x64xf32, #tpu.memory_space<hbm>>
      %dma_wait3A_525 = arith.constant 0 : i32
      %dma_wait3A_526 = arith.constant 0 : i32
      %dma_wait3A_527 = tpu.memref_slice %arg4[%add3A_515, %dma_wait3A_525, %dma_wait3A_526] : memref<4096x200x64xf32, #tpu.memory_space<hbm>> -> memref<1x200x64xf32, #tpu.memory_space<hbm>>
      %dma_wait3A_528 = tpu.memref_squeeze %dma_wait3A_527 : memref<1x200x64xf32, #tpu.memory_space<hbm>> -> memref<200x64xf32, #tpu.memory_space<hbm>>
      %dma_wait3A_529 = arith.constant 0 : i32
      %dma_wait3A_530 = arith.constant 0 : i32
      %dma_wait3A_531 = tpu.memref_slice %arg6[%dma_wait3A_516, %dma_wait3A_529, %dma_wait3A_530] : memref<8x200x64xf32, #tpu.memory_space<vmem>> -> memref<1x200x64xf32, #tpu.memory_space<vmem>>
      %dma_wait3A_532 = tpu.memref_squeeze %dma_wait3A_531 : memref<1x200x64xf32, #tpu.memory_space<vmem>> -> memref<200x64xf32, #tpu.memory_space<vmem>>
      tpu.wait_dma2 semaphore(%arg8 : memref<!tpu.dma_semaphore, #tpu.memory_space<semaphore_mem>>) src(%dma_wait3A_532 : memref<200x64xf32, #tpu.memory_space<vmem>>) dst(%dma_wait3A_528 : memref<200x64xf32, #tpu.memory_space<hbm>>)
      %mul3A_533 = arith.constant 8 : i32
      %mul3A_534 = arith.muli %scan3A_8, %mul3A_533 : i32
      %add3A_535 = arith.addi %mul3A_2, %mul3A_534 : i32
      %add3A_536 = arith.constant 5 : i32
      %add3A_537 = arith.addi %add3A_535, %add3A_536 : i32
      %dma_wait3A_538 = arith.constant 5 : i32
      %dma_wait3A_539 = arith.constant 0 : i32
      %dma_wait3A_540 = arith.constant 0 : i32
      %dma_wait3A_541 = tpu.memref_slice %arg6[%dma_wait3A_538, %dma_wait3A_539, %dma_wait3A_540] : memref<8x200x64xf32, #tpu.memory_space<vmem>> -> memref<1x200x64xf32, #tpu.memory_space<vmem>>
      %dma_wait3A_542 = tpu.memref_squeeze %dma_wait3A_541 : memref<1x200x64xf32, #tpu.memory_space<vmem>> -> memref<200x64xf32, #tpu.memory_space<vmem>>
      %dma_wait3A_543 = arith.constant 0 : i32
      %dma_wait3A_544 = arith.constant 0 : i32
      %dma_wait3A_545 = tpu.memref_slice %arg4[%add3A_537, %dma_wait3A_543, %dma_wait3A_544] : memref<4096x200x64xf32, #tpu.memory_space<hbm>> -> memref<1x200x64xf32, #tpu.memory_space<hbm>>
      %dma_wait3A_546 = tpu.memref_squeeze %dma_wait3A_545 : memref<1x200x64xf32, #tpu.memory_space<hbm>> -> memref<200x64xf32, #tpu.memory_space<hbm>>
      %dma_wait3A_547 = arith.constant 0 : i32
      %dma_wait3A_548 = arith.constant 0 : i32
      %dma_wait3A_549 = tpu.memref_slice %arg4[%add3A_537, %dma_wait3A_547, %dma_wait3A_548] : memref<4096x200x64xf32, #tpu.memory_space<hbm>> -> memref<1x200x64xf32, #tpu.memory_space<hbm>>
      %dma_wait3A_550 = tpu.memref_squeeze %dma_wait3A_549 : memref<1x200x64xf32, #tpu.memory_space<hbm>> -> memref<200x64xf32, #tpu.memory_space<hbm>>
      %dma_wait3A_551 = arith.constant 0 : i32
      %dma_wait3A_552 = arith.constant 0 : i32
      %dma_wait3A_553 = tpu.memref_slice %arg6[%dma_wait3A_538, %dma_wait3A_551, %dma_wait3A_552] : memref<8x200x64xf32, #tpu.memory_space<vmem>> -> memref<1x200x64xf32, #tpu.memory_space<vmem>>
      %dma_wait3A_554 = tpu.memref_squeeze %dma_wait3A_553 : memref<1x200x64xf32, #tpu.memory_space<vmem>> -> memref<200x64xf32, #tpu.memory_space<vmem>>
      tpu.wait_dma2 semaphore(%arg8 : memref<!tpu.dma_semaphore, #tpu.memory_space<semaphore_mem>>) src(%dma_wait3A_554 : memref<200x64xf32, #tpu.memory_space<vmem>>) dst(%dma_wait3A_550 : memref<200x64xf32, #tpu.memory_space<hbm>>)
      %mul3A_555 = arith.constant 8 : i32
      %mul3A_556 = arith.muli %scan3A_8, %mul3A_555 : i32
      %add3A_557 = arith.addi %mul3A_2, %mul3A_556 : i32
      %add3A_558 = arith.constant 6 : i32
      %add3A_559 = arith.addi %add3A_557, %add3A_558 : i32
      %dma_wait3A_560 = arith.constant 6 : i32
      %dma_wait3A_561 = arith.constant 0 : i32
      %dma_wait3A_562 = arith.constant 0 : i32
      %dma_wait3A_563 = tpu.memref_slice %arg6[%dma_wait3A_560, %dma_wait3A_561, %dma_wait3A_562] : memref<8x200x64xf32, #tpu.memory_space<vmem>> -> memref<1x200x64xf32, #tpu.memory_space<vmem>>
      %dma_wait3A_564 = tpu.memref_squeeze %dma_wait3A_563 : memref<1x200x64xf32, #tpu.memory_space<vmem>> -> memref<200x64xf32, #tpu.memory_space<vmem>>
      %dma_wait3A_565 = arith.constant 0 : i32
      %dma_wait3A_566 = arith.constant 0 : i32
      %dma_wait3A_567 = tpu.memref_slice %arg4[%add3A_559, %dma_wait3A_565, %dma_wait3A_566] : memref<4096x200x64xf32, #tpu.memory_space<hbm>> -> memref<1x200x64xf32, #tpu.memory_space<hbm>>
      %dma_wait3A_568 = tpu.memref_squeeze %dma_wait3A_567 : memref<1x200x64xf32, #tpu.memory_space<hbm>> -> memref<200x64xf32, #tpu.memory_space<hbm>>
      %dma_wait3A_569 = arith.constant 0 : i32
      %dma_wait3A_570 = arith.constant 0 : i32
      %dma_wait3A_571 = tpu.memref_slice %arg4[%add3A_559, %dma_wait3A_569, %dma_wait3A_570] : memref<4096x200x64xf32, #tpu.memory_space<hbm>> -> memref<1x200x64xf32, #tpu.memory_space<hbm>>
      %dma_wait3A_572 = tpu.memref_squeeze %dma_wait3A_571 : memref<1x200x64xf32, #tpu.memory_space<hbm>> -> memref<200x64xf32, #tpu.memory_space<hbm>>
      %dma_wait3A_573 = arith.constant 0 : i32
      %dma_wait3A_574 = arith.constant 0 : i32
      %dma_wait3A_575 = tpu.memref_slice %arg6[%dma_wait3A_560, %dma_wait3A_573, %dma_wait3A_574] : memref<8x200x64xf32, #tpu.memory_space<vmem>> -> memref<1x200x64xf32, #tpu.memory_space<vmem>>
      %dma_wait3A_576 = tpu.memref_squeeze %dma_wait3A_575 : memref<1x200x64xf32, #tpu.memory_space<vmem>> -> memref<200x64xf32, #tpu.memory_space<vmem>>
      tpu.wait_dma2 semaphore(%arg8 : memref<!tpu.dma_semaphore, #tpu.memory_space<semaphore_mem>>) src(%dma_wait3A_576 : memref<200x64xf32, #tpu.memory_space<vmem>>) dst(%dma_wait3A_572 : memref<200x64xf32, #tpu.memory_space<hbm>>)
      %mul3A_577 = arith.constant 8 : i32
      %mul3A_578 = arith.muli %scan3A_8, %mul3A_577 : i32
      %add3A_579 = arith.addi %mul3A_2, %mul3A_578 : i32
      %add3A_580 = arith.constant 7 : i32
      %add3A_581 = arith.addi %add3A_579, %add3A_580 : i32
      %dma_wait3A_582 = arith.constant 7 : i32
      %dma_wait3A_583 = arith.constant 0 : i32
      %dma_wait3A_584 = arith.constant 0 : i32
      %dma_wait3A_585 = tpu.memref_slice %arg6[%dma_wait3A_582, %dma_wait3A_583, %dma_wait3A_584] : memref<8x200x64xf32, #tpu.memory_space<vmem>> -> memref<1x200x64xf32, #tpu.memory_space<vmem>>
      %dma_wait3A_586 = tpu.memref_squeeze %dma_wait3A_585 : memref<1x200x64xf32, #tpu.memory_space<vmem>> -> memref<200x64xf32, #tpu.memory_space<vmem>>
      %dma_wait3A_587 = arith.constant 0 : i32
      %dma_wait3A_588 = arith.constant 0 : i32
      %dma_wait3A_589 = tpu.memref_slice %arg4[%add3A_581, %dma_wait3A_587, %dma_wait3A_588] : memref<4096x200x64xf32, #tpu.memory_space<hbm>> -> memref<1x200x64xf32, #tpu.memory_space<hbm>>
      %dma_wait3A_590 = tpu.memref_squeeze %dma_wait3A_589 : memref<1x200x64xf32, #tpu.memory_space<hbm>> -> memref<200x64xf32, #tpu.memory_space<hbm>>
      %dma_wait3A_591 = arith.constant 0 : i32
      %dma_wait3A_592 = arith.constant 0 : i32
      %dma_wait3A_593 = tpu.memref_slice %arg4[%add3A_581, %dma_wait3A_591, %dma_wait3A_592] : memref<4096x200x64xf32, #tpu.memory_space<hbm>> -> memref<1x200x64xf32, #tpu.memory_space<hbm>>
      %dma_wait3A_594 = tpu.memref_squeeze %dma_wait3A_593 : memref<1x200x64xf32, #tpu.memory_space<hbm>> -> memref<200x64xf32, #tpu.memory_space<hbm>>
      %dma_wait3A_595 = arith.constant 0 : i32
      %dma_wait3A_596 = arith.constant 0 : i32
      %dma_wait3A_597 = tpu.memref_slice %arg6[%dma_wait3A_582, %dma_wait3A_595, %dma_wait3A_596] : memref<8x200x64xf32, #tpu.memory_space<vmem>> -> memref<1x200x64xf32, #tpu.memory_space<vmem>>
      %dma_wait3A_598 = tpu.memref_squeeze %dma_wait3A_597 : memref<1x200x64xf32, #tpu.memory_space<vmem>> -> memref<200x64xf32, #tpu.memory_space<vmem>>
      tpu.wait_dma2 semaphore(%arg8 : memref<!tpu.dma_semaphore, #tpu.memory_space<semaphore_mem>>) src(%dma_wait3A_598 : memref<200x64xf32, #tpu.memory_space<vmem>>) dst(%dma_wait3A_594 : memref<200x64xf32, #tpu.memory_space<hbm>>)
    }
    %scan3A_7 = arith.constant 16 : i32
    return
  }
}

</mosaic_0001>

<sc_bundles>
// kernel: _sc_gather.3.cloned.1.call-start
scs
__scs_entry_jumppad:
0x0: {  	(pc) =	sbr.rel $0x88, $3  }
0x1: {  	(tag) =	ssettag $0x0;
	lr =	simm.s32 $0x1  }
0x2: {  	[smem:$0x3F9F] =	sst lr;
	_ =	strace $0xD0000000  }
0x3: {  	_ = 	snop  }
0x4: {  	_ = 	snop  }
0x5: {  	_ = 	snop  }
0x6: {  	_ = 	snop  }
0x7: {  	_ = 	snop  }
__scs_overlays_trampoline_lowered:
0x8: {  	[smem:$0x3FAE] =	sst s0  }
0x9: {  	[smem:$0x3FAF] =	sst s1  }
0xa: {  	[smem:$0x3FB0] =	sst s2  }
0xb: {  	[smem:$0x3FB1] =	sst s3  }
0xc: {  	[smem:$0x3FB2] =	sst s4  }
0xd: {  	[smem:$0x3FB3] =	sst s5  }
0xe: {  	[smem:$0x3FB4] =	sst s6  }
0xf: {  	[smem:$0x3FB5] =	sst s7  }
0x10: {  	[smem:$0x3FB6] =	sst s8  }
0x11: {  	[smem:$0x3FB7] =	sst s9;
	s0 =	simm.s32 @!p0 $0x0  }
0x12: {  	s1 =	sld [smem:$0x3F9D];
	s0 =	simm.s32 @p0 $0x1  }
0x13: {  	[smem:$0x3FB8] =	sst s0;
	s0 =	simm.s32 @!p1 $0x0  }
0x14: {  	s2 =	sld [smem:$0x3F9C];
	s0 =	simm.s32 @p1 $0x1  }
0x15: {  	[smem:$0x3FB9] =	sst s0;
	s0 =	simm.s32 @!p2 $0x0  }
0x16: {  	s3 =	sld [smem:$0x3FDB];
	s0 =	simm.s32 @p2 $0x1  }
0x17: {  	s4 =	simm.s32 $0x1BF5;
	[smem:$0x3FBB] =	sst s0  }
0x18: {  	s0 =	sld [smem:$0x3F9E];
	_ =	swait.ge [sflag:s4], $0x0  }
0x19: {  	s7 =	sld [smem:$0x3F9F]  }
0x1a: {  	s8 =	sadd.s32 $0xFFFFE003, lr  }
0x1b: {  	s9 =	sadd.s32 $0xFFFFFEF7, lr;
	s5 =	simm.s32 $0xFFFFFFFF;
	p2 =	slt.u32 s8, $0xFFFFF086  }
0x1c: {  	p1 =	slt.u32 s9, $0xF7A;
	s5 =	simm.s32 @!p2 $0x0  }
0x1d: {  	s5 =	simm.s32 @p1 $0x1;
	p0 =	seq.s32 s7, s2  }
0x1e: {  	s7 =	smul.u32 @!p0 $0xF7A, s2;
	p2 =	seq.s32 @!p0 s5, $0x0  }
0x1f: {  	s9 =	smul.u32 $0xF7A, s1;
	s8 =	simm.s32 @!p0 $0x1BF5;
	p2 =	por !p2, p0  }
0x20: {  	[sflag:s8] =	ssyncset.s32 @!p0 $0xFFFFF086;
	s6 =	sadd.s32 @!p0 s3, s7;
	s7 =	simm.s32 @!p0 $0x108  }
0x21: {  	s3 =	sadd.s32 s3, s9;
	s6 =	sadd.s32 @!p0 $0x88, s6;
	s7 =	simm.s32 @p2 $0x1082  }
0x22: {  	[simem:s7], [sflag:s8] =	dma.local @!p0 [hbm:s6], $0xF7A  }
0x23: {  	s9 =	sor.u32 $0xD0000000, s2;
	s6 =	simm.s32 $0x108;
	_ =	swait.ge @!p0 [sflag:s8], $0x0  }
0x24: {  	s3 =	sadd.s32 $0x88, s3;
	s6 =	simm.s32 @!p1 $0x1082;
	[sflag:s4] =	ssyncset.s32 $0xFFFFF086  }
0x25: {  	[simem:s6], [sflag:s4] =	dma.local [hbm:s3], $0xF7A  }
0x26: {  	[smem:$0x3F9F] =	sst s1;
	(tag) =	ssettag s2;
	_ =	strace s9  }
0x27: {  	s1 =	sld [smem:$0x3FAF]  }
0x28: {  	s2 =	sld [smem:$0x3FB0]  }
0x29: {  	s4 =	sld [smem:$0x3FB2]  }
0x2a: {  	p0 =	seq.s32 s5, $0x0;
	s5 =	sld [smem:$0x3FB3]  }
0x2b: {  	s6 =	sld [smem:$0x3FB4]  }
0x2c: {  	s7 =	sld [smem:$0x3FB5]  }
0x2d: {  	s3 =	simm.s32 $0x108;
	s8 =	sld [smem:$0x3FB6]  }
0x2e: {  	s3 =	simm.s32 @!p0 $0x1082;
	s9 =	sld [smem:$0x3FB7]  }
0x2f: {  	lr =	sadd.s32 s0, s3;
	s0 =	sld [smem:$0x3FAE]  }
0x30: {  	s3 =	sld [smem:$0x3FB1]  }
0x31: {  	[smem:$0x3FBA] =	sst s10  }
0x32: {  	s10 =	sld [smem:$0x3FB8];
	_ =	sdelay $0x3  }
0x33: {  	p0 =	seq.s32 s10, $0x1;
	s10 =	sld [smem:$0x3FBA];
	_ =	sdelay $0x3  }
0x34: {  	[smem:$0x3FBA] =	sst s10  }
0x35: {  	s10 =	sld [smem:$0x3FB9];
	_ =	sdelay $0x3  }
0x36: {  	p1 =	seq.s32 s10, $0x1;
	s10 =	sld [smem:$0x3FBA];
	_ =	sdelay $0x3  }
0x37: {  	[smem:$0x3FBA] =	sst s10  }
0x38: {  	s10 =	sld [smem:$0x3FBB]  }
0x39: {  	_ = 	snop;
	(pc) =	sbr.ind lr, $3  }
0x3a: {  	_ = 	snop  }
0x3b: {  	_ = 	snop  }
0x3c: {  	p2 =	seq.s32 s10, $0x1;
	s10 =	sld [smem:$0x3FBA]  }
0x3d: {  	_ =	shalt  }
0x3e: {  	_ =	shalt  }
0x3f: {  	_ =	shalt  }
0x40: {  	_ =	shalt  }
0x41: {  	_ =	shalt  }
0x42: {  	_ =	shalt  }
0x43: {  	_ =	shalt  }
0x44: {  	_ =	shalt  }
0x45: {  	_ =	shalt  }
0x46: {  	_ =	shalt  }
0x47: {  	_ =	shalt  }
0x48: {  	_ =	shalt  }
0x49: {  	_ =	shalt  }
0x4a: {  	_ =	shalt  }
0x4b: {  	_ =	shalt  }
0x4c: {  	_ =	shalt  }
0x4d: {  	_ =	shalt  }
0x4e: {  	_ =	shalt  }
0x4f: {  	_ =	shalt  }
0x50: {  	_ =	shalt  }
0x51: {  	_ =	shalt  }
0x52: {  	_ =	shalt  }
0x53: {  	_ =	shalt  }
0x54: {  	_ =	shalt  }
0x55: {  	_ =	shalt  }
0x56: {  	_ =	shalt  }
0x57: {  	_ =	shalt  }
0x58: {  	_ =	shalt  }
0x59: {  	_ =	shalt  }
0x5a: {  	_ =	shalt  }
0x5b: {  	_ =	shalt  }
0x5c: {  	_ =	shalt  }
0x5d: {  	_ =	shalt  }
0x5e: {  	_ =	shalt  }
0x5f: {  	_ =	shalt  }
0x60: {  	_ =	shalt  }
0x61: {  	_ =	shalt  }
0x62: {  	_ =	shalt  }
0x63: {  	_ =	shalt  }
0x64: {  	_ =	shalt  }
0x65: {  	_ =	shalt  }
0x66: {  	_ =	shalt  }
0x67: {  	_ =	shalt  }
0x68: {  	_ =	shalt  }
0x69: {  	_ =	shalt  }
0x6a: {  	_ =	shalt  }
0x6b: {  	_ =	shalt  }
0x6c: {  	_ =	shalt  }
0x6d: {  	_ =	shalt  }
0x6e: {  	_ =	shalt  }
0x6f: {  	_ =	shalt  }
0x70: {  	_ =	shalt  }
0x71: {  	_ =	shalt  }
0x72: {  	_ =	shalt  }
0x73: {  	_ =	shalt  }
0x74: {  	_ =	shalt  }
0x75: {  	_ =	shalt  }
0x76: {  	_ =	shalt  }
0x77: {  	_ =	shalt  }
0x78: {  	_ =	shalt  }
0x79: {  	_ =	shalt  }
0x7a: {  	_ =	shalt  }
0x7b: {  	_ =	shalt  }
0x7c: {  	_ =	shalt  }
0x7d: {  	_ =	shalt  }
0x7e: {  	_ =	shalt  }
0x7f: {  	_ =	shalt  }
0x80: {  	_ =	shalt  }
0x81: {  	_ =	shalt  }
0x82: {  	_ =	shalt  }
0x83: {  	_ =	shalt  }
0x84: {  	_ =	shalt  }
0x85: {  	_ =	shalt  }
0x86: {  	_ =	shalt  }
0x87: {  	_ =	shalt  }
.Lfunc_end0:
.L_simem_size_0:
called_computation.1_lowered:
.L_overlay_start_0:
0x88: {  	s2 =	sld [smem:$0x3FD9]  }
0x89: {  	s3 =	sld [smem:$0x3FFE];
	_ =	sdelay $0x1  }
0x8a: {  	s1 =	srdreg.scid  }
0x8b: {  	s0 =	sand.u32 $0x1, s1  }
0x8c: {  	s17 =	sshll.u32 s0, $0xA;
	s2 =	sadd.s32 s3, s2  }
0x8d: {  	s2 =	sadd.s32 s2, s17  }
0x8e: {  	[smem:$0x3FC6] =	sst s2  }
0x8f: {  	_ = 	snop  }
0x90: {  	s2 =	sld [smem:$0x3FD0];
	(tm) =	ssettm $0x1  }
0x91: {  	s18 =	sld [smem:$0x3FFB];
	_ =	sdelay $0x3  }
0x92: {  	_ =	strace s18  }
0x93: {  	s3 =	sld [smem:$0x3FFC];
	_ =	sdelay $0x3  }
0x94: {  	_ =	strace s3  }
0x95: {  	s3 =	sld [smem:$0x3FFD];
	_ =	sdelay $0x3  }
0x96: {  	_ =	strace s3  }
0x97: {  	_ =	strace $0x8FFFFFFF  }
0x98: {  	s19 =	sld [smem:$0x3FDB];
	_ =	sdelay $0x1  }
0x99: {  	s4 =	simm.s32 $_scs_section_size  }
0x9a: {  	s5 =	simm.s32 $_size__tile_overlayer_lowered;
	s6 =	simm.s32 $_tile_overlayer_lowered  }
0x9b: {  	s22 =	simm.s32 $0x1BFF;
	s21 =	sshll.u32 s6, $0x1;
	s3 =	sadd.s32 s4, s19  }
0x9c: {  	s7 =	simm.s32 $0x0;
	s20 =	sshll.u32 s5, $0x1;
	s5 =	sadd.s32 s21, s3  }
0x9d: {  	[timem:s7], [sflag:s22] =	dma.local [hbm:s5], s20  }
0x9e: {  	_ =	swait.ge [sflag:s22], s20  }
0x9f: {  	s4 =	ssub.s32 $0x0, s20;
	[sflag:s22] =	ssyncset.done $0x0  }
0xa0: {  	[sflag:s22] =	ssyncadd.s32 s4;
	_ =	sdelay $0x1  }
0xa1: {  	s23 =	simm.s32 $0x1B8B  }
0xa2: {  	_ =	swait.ge [sflag:s23], $0x1  }
0xa3: {  	[sflag:s23] =	ssyncset.done $0x0  }
0xa4: {  	s25 =	simm.s32 $0x1B8E;
	s24 =	sld [smem:$0x3FFE];
	[sflag:s23] =	ssyncadd.s32 $0xFFFFFFFF  }
0xa5: {  	s26 =	simm.s32 $execute0_lowered;
	[smem:$0x3FD2] =	sst s25  }
0xa6: {  	s5 =	sshll.u32 s26, $0x1;
	_ =	strace $0x80000046;
	[dreg:$0x1] =	wrdreg $0xFFFFFFFF  }
0xa7: {  	s28 =	simm.s32 $_size_execute0_lowered;
	s3 =	sadd.s32 s3, s5;
	[dreg:$0x0] =	wrdreg $0x0  }
0xa8: {  	s5 =	sshll.u32 s28, $0x1;
	[dreg:$0x2] =	wrdreg s3  }
0xa9: {  	[dreg:$0x3] =	wrdreg s5  }
0xaa: {  	[dreg:$0x4] =	wrdreg $0xC0  }
0xab: {  	_ =	task [dreg:s7], $0x5FFFF  }
0xac: {  	[dreg:$0x1] =	wrdreg $0xFFFFFFFF  }
0xad: {  	[dreg:$0x0] =	wrdreg $0x60  }
0xae: {  	[dreg:$0x2] =	wrdreg s24  }
0xaf: {  	[dreg:$0x3] =	wrdreg s2  }
0xb0: {  	[dreg:$0x4] =	wrdreg $0x9  }
0xb1: {  	_ =	task.clear_ibuf [dreg:s7], $0x5FFFF;
	_ =	strace $0x90000046  }
0xb2: {  	s29 =	simm.s32 $0x9;
	_ =	strace $0x80000048  }
0xb3: {  	_ =	swait.ge [sflag:s29], $0x1  }
0xb4: {  	[sflag:s29] =	ssyncadd.s32 $0xFFFFFFFF  }
0xb5: {  	_ =	strace $0x90000048  }
0xb6: {  	_ =	sfence  }
0xb7: {  	s30 =	sld [smem:$0x0];
	_ =	sdelay $0x2  }
0xb8: {  	s31 =	sshll.u32 s1, $0xD;
	s1 =	sshrl.u32 s1, $0x2  }
0xb9: {  	s3 =	sand.u32 $0x4000, s31;
	s1 =	sadd.s32 s1, s30  }
0xba: {  	s0 =	sor.u32 s3, s0;
	s1 =	sshll.u32 s1, $0x11  }
0xbb: {  	s0 =	sor.u32 s1, s0  }
0xbc: {  	s0 =	sadd.s32 $0x8F2B, s0  }
0xbd: {  	[sflag:s0] =	ssyncadd.remote.s32 $0x1  }
0xbe: {  	_ =	sfence.sel $0xFFFF  }
0xbf: {  	[dreg:$0x0] =	wrdreg $0xFFFFFFFF;
	(pc) =	sbr.abs _section_cstart, $3  }
0xc0: {  	[dreg:$0x1] =	wrdreg $0xFFFFFFFF  }
0xc1: {  	_ =	task.clear_ibuf [dreg:s7], $0x2FFFF;
	_ =	strace $0x9FFFFFFF  }
0xc2: {  	(tm) =	ssettm $0x7FFFFFFF  }
0xc3: {  	_ =	shalt  }
tec
execute0_lowered:
.L_overlay_start_1:
0x0: {  	(tag) =	ssettag $0x1  }
0x1: {  	s1 =	srdreg.scid  }
0x2: {  	s0 =	stileid.u32;
	s4 =	rddreg [dreg:$0x0]  }
0x3: {  	s3 =	simm.s32 $0x0;
	s12 =	simm.s32 $0xC800;
	s13 =	simm.s32 $0xFA00  }
0x4: {  	s14 =	simm.s32 $0x12C00;
	s15 =	simm.s32 $0x15E00;
	s16 =	simm.s32 $0x19000  }
0x5: {  	s17 =	simm.s32 $0x1C200;
	s6 =	sand.u32 $0x1, s1;
	s7 =	smul.u32 $0x320000, s0  }
0x6: {  	s18 =	sshll.u32 s0, $0x8;
	[smem:$0x7FF] =	sst s3;
	s31 =	smul.u32 $0x64000, s0  }
0x7: {  	s2 =	sshll.u32 s6, $0x7;
	s8 =	smul.u32 $0x190000, s6;
	s9 =	ssub.s32 $0x2, s6  }
0x8: {  	s11 =	smul.u32 $0x32000, s6;
	s1 =	sor.u32 s2, s18;
	s2 =	rddreg [dreg:$0x1]  }
0x9: {  	s19 =	sshrl.u32 s9, $0x1;
	s18 =	simm.s32 $0x1;
	s5 =	smul.u32 $0x19, s1  }
0xa: {  	s1 =	rddreg [dreg:$0x2];
	_ =	strace $0x80000047;
	s7 =	sadd.s32 s8, s7  }
0xb: {  	s8 =	ssub.s32 s9, s19;
	s19 =	simm.s32 $0x2;
	s10 =	sadd.s32 $0x15E00, s7  }
0xc: {  	s21 =	sadd.s32 $0x12C00, s7;
	s23 =	sor.u32 $0xFA00, s7;
	s25 =	sor.u32 $0xC800, s7  }
0xd: {  	s28 =	sor.u32 $0x9600, s7;
	s30 =	sor.u32 $0x6400, s7;
	s20 =	sshrl.u32 s10, $0x3  }
0xe: {  	s7 =	sor.u32 $0x3200, s7;
	s22 =	sshrl.u32 s21, $0x3;
	[dreg:$0x3] =	wrdreg s20  }
0xf: {  	s6 =	smax.u32 s8, $0x1;
	s24 =	sshrl.u32 s23, $0x3;
	[dreg:$0x4] =	wrdreg s22  }
0x10: {  	s8 =	simm.s32 $0x3;
	s26 =	sshrl.u32 s25, $0x3;
	[dreg:$0x5] =	wrdreg s24  }
0x11: {  	s5 =	sadd.s32 s5, s4;
	s29 =	sshrl.u32 s28, $0x3;
	[dreg:$0x6] =	wrdreg s26  }
0x12: {  	s4 =	sadd.s32 $0xF42E00, s4;
	s9 =	sshrl.u32 s30, $0x3;
	[dreg:$0x7] =	wrdreg s29  }
0x13: {  	s7 =	sshrl.u32 s7, $0x3;
	s10 =	simm.s32 $0x6400;
	[dreg:$0x8] =	wrdreg s9  }
0x14: {  	s5 =	sadd.s32 $0xA00, s5;
	[dreg:$0x9] =	wrdreg s7;
	s7 =	sadd.s32 s11, s31  }
0x15: {  	s9 =	simm.s32 $0xC8;
	s11 =	simm.s32 $0x9600;
	s20 =	simm.s32 $0x0  }
.LBB2_1:
0x16: {  	[tilespmem:s3], [sflag:$0x3] =	stream.linear.gather [hbm4b:s5+s3], $0x6400, $0x38;
	[tilespmem:$0x1F400] =	vst v63  }
0x17: {  	_ =	swait.ge [sflag:s8], $0x6400  }
0x18: {  	[sflag:s8] =	ssyncset.done $0x0  }
0x19: {  	s21 =	simm.s32 $0x0;
	[sflag:s8] =	ssyncadd.s32 $0xFFFF9C00  }
0x1a: {  	[tilespmem:s10], [sflag:$0x1] =	stream.indirect.gather [hbm4b:s4+s9], $0x40, s21, s9, $0xb8;
	[tilespmem:$0x1F400] =	vst v63  }
0x1b: {  	s30 =	simm.s32 $0xC8  }
0x1c: {  	[tilespmem:s11], [sflag:$0x1] =	stream.indirect.gather [hbm4b:s4+s9], $0x40, s30, s9, $0xb8;
	[tilespmem:$0x1F400] =	vst v63  }
0x1d: {  	s31 =	simm.s32 $0x190  }
0x1e: {  	[tilespmem:s12], [sflag:$0x1] =	stream.indirect.gather [hbm4b:s4+s9], $0x40, s31, s9, $0xb8;
	[tilespmem:$0x1F400] =	vst v63  }
0x1f: {  	s22 =	simm.s32 $0x258  }
0x20: {  	[tilespmem:s13], [sflag:$0x1] =	stream.indirect.gather [hbm4b:s4+s9], $0x40, s22, s9, $0xb8;
	[tilespmem:$0x1F400] =	vst v63  }
0x21: {  	s23 =	simm.s32 $0x320  }
0x22: {  	[tilespmem:s14], [sflag:$0x1] =	stream.indirect.gather [hbm4b:s4+s9], $0x40, s23, s9, $0xb8;
	[tilespmem:$0x1F400] =	vst v63  }
0x23: {  	s24 =	simm.s32 $0x3E8  }
0x24: {  	[tilespmem:s15], [sflag:$0x1] =	stream.indirect.gather [hbm4b:s4+s9], $0x40, s24, s9, $0xb8;
	[tilespmem:$0x1F400] =	vst v63  }
0x25: {  	s25 =	simm.s32 $0x4B0  }
0x26: {  	[tilespmem:s16], [sflag:$0x1] =	stream.indirect.gather [hbm4b:s4+s9], $0x40, s25, s9, $0xb8;
	[tilespmem:$0x1F400] =	vst v63  }
0x27: {  	s26 =	simm.s32 $0x578  }
0x28: {  	[tilespmem:s17], [sflag:$0x1] =	stream.indirect.gather [hbm4b:s4+s9], $0x40, s26, s9, $0xb8;
	[tilespmem:$0x1F400] =	vst v63  }
0x29: {  	_ =	swait.ge [sflag:s18], $0x3200  }
0x2a: {  	[sflag:s18] =	ssyncset.done $0x0  }
0x2b: {  	[sflag:s18] =	ssyncadd.s32 $0xFFFFCE00  }
0x2c: {  	_ =	swait.ge [sflag:s18], $0x3200  }
0x2d: {  	[sflag:s18] =	ssyncset.done $0x0  }
0x2e: {  	[sflag:s18] =	ssyncadd.s32 $0xFFFFCE00  }
0x2f: {  	_ =	swait.ge [sflag:s18], $0x3200  }
0x30: {  	[sflag:s18] =	ssyncset.done $0x0  }
0x31: {  	[sflag:s18] =	ssyncadd.s32 $0xFFFFCE00  }
0x32: {  	_ =	swait.ge [sflag:s18], $0x3200  }
0x33: {  	[sflag:s18] =	ssyncset.done $0x0  }
0x34: {  	[sflag:s18] =	ssyncadd.s32 $0xFFFFCE00  }
0x35: {  	_ =	swait.ge [sflag:s18], $0x3200  }
0x36: {  	[sflag:s18] =	ssyncset.done $0x0  }
0x37: {  	[sflag:s18] =	ssyncadd.s32 $0xFFFFCE00  }
0x38: {  	_ =	swait.ge [sflag:s18], $0x3200  }
0x39: {  	[sflag:s18] =	ssyncset.done $0x0  }
0x3a: {  	[sflag:s18] =	ssyncadd.s32 $0xFFFFCE00  }
0x3b: {  	_ =	swait.ge [sflag:s18], $0x3200  }
0x3c: {  	[sflag:s18] =	ssyncset.done $0x0  }
0x3d: {  	[sflag:s18] =	ssyncadd.s32 $0xFFFFCE00  }
0x3e: {  	_ =	swait.ge [sflag:s18], $0x3200  }
0x3f: {  	[sflag:s18] =	ssyncset.done $0x0  }
0x40: {  	s22 =	sadd.s32 s2, s7;
	s28 =	rddreg [dreg:$0x9];
	[sflag:s18] =	ssyncadd.s32 $0xFFFFCE00  }
0x41: {  	[hbm4b:s22+s3] =	stream.linear.scatter [tilespmem:s10], [sflag:$0x2], $0x3200, $0x38;
	[tilespmem:$0x1F400] =	vst v63  }
0x42: {  	s23 =	rddreg [dreg:$0x8];
	s21 =	sadd.s32 s2, s28  }
0x43: {  	[hbm4b:s21+s3] =	stream.linear.scatter [tilespmem:s11], [sflag:$0x2], $0x3200, $0x38;
	[tilespmem:$0x1F400] =	vst v63  }
0x44: {  	s29 =	rddreg [dreg:$0x7];
	s30 =	sadd.s32 s2, s23  }
0x45: {  	[hbm4b:s30+s3] =	stream.linear.scatter [tilespmem:s12], [sflag:$0x2], $0x3200, $0x38;
	[tilespmem:$0x1F400] =	vst v63  }
0x46: {  	s31 =	rddreg [dreg:$0x6];
	s22 =	sadd.s32 s2, s29  }
0x47: {  	[hbm4b:s22+s3] =	stream.linear.scatter [tilespmem:s13], [sflag:$0x2], $0x3200, $0x38;
	[tilespmem:$0x1F400] =	vst v63  }
0x48: {  	s24 =	rddreg [dreg:$0x5];
	s25 =	sadd.s32 s2, s31  }
0x49: {  	[hbm4b:s25+s3] =	stream.linear.scatter [tilespmem:s14], [sflag:$0x2], $0x3200, $0x38;
	[tilespmem:$0x1F400] =	vst v63  }
0x4a: {  	s26 =	rddreg [dreg:$0x4];
	s28 =	sadd.s32 s2, s24  }
0x4b: {  	[hbm4b:s28+s3] =	stream.linear.scatter [tilespmem:s15], [sflag:$0x2], $0x3200, $0x38;
	[tilespmem:$0x1F400] =	vst v63  }
0x4c: {  	s29 =	rddreg [dreg:$0x3];
	s30 =	sadd.s32 s2, s26  }
0x4d: {  	[hbm4b:s30+s3] =	stream.linear.scatter [tilespmem:s16], [sflag:$0x2], $0x3200, $0x38;
	[tilespmem:$0x1F400] =	vst v63  }
0x4e: {  	s31 =	sadd.s32 s2, s29  }
0x4f: {  	[hbm4b:s31+s3] =	stream.linear.scatter [tilespmem:s17], [sflag:$0x2], $0x3200, $0x38;
	[tilespmem:$0x1F400] =	vst v63  }
0x50: {  	_ =	swait.ge [sflag:s19], $0x3200  }
0x51: {  	[sflag:s19] =	ssyncset.done $0x0  }
0x52: {  	[sflag:s19] =	ssyncadd.s32 $0xFFFFCE00  }
0x53: {  	_ =	swait.ge [sflag:s19], $0x3200  }
0x54: {  	[sflag:s19] =	ssyncset.done $0x0  }
0x55: {  	[sflag:s19] =	ssyncadd.s32 $0xFFFFCE00  }
0x56: {  	_ =	swait.ge [sflag:s19], $0x3200  }
0x57: {  	[sflag:s19] =	ssyncset.done $0x0  }
0x58: {  	[sflag:s19] =	ssyncadd.s32 $0xFFFFCE00  }
0x59: {  	_ =	swait.ge [sflag:s19], $0x3200  }
0x5a: {  	[sflag:s19] =	ssyncset.done $0x0  }
0x5b: {  	[sflag:s19] =	ssyncadd.s32 $0xFFFFCE00  }
0x5c: {  	_ =	swait.ge [sflag:s19], $0x3200  }
0x5d: {  	[sflag:s19] =	ssyncset.done $0x0  }
0x5e: {  	[sflag:s19] =	ssyncadd.s32 $0xFFFFCE00  }
0x5f: {  	_ =	swait.ge [sflag:s19], $0x3200  }
0x60: {  	[sflag:s19] =	ssyncset.done $0x0  }
0x61: {  	[sflag:s19] =	ssyncadd.s32 $0xFFFFCE00  }
0x62: {  	_ =	swait.ge [sflag:s19], $0x3200  }
0x63: {  	[sflag:s19] =	ssyncset.done $0x0  }
0x64: {  	[sflag:s19] =	ssyncadd.s32 $0xFFFFCE00  }
0x65: {  	s24 =	simm.s32 $0x3200;
	_ =	swait.ge [sflag:s19], $0x3200  }
0x66: {  	s21 =	sadd.s32 $0x3200, s2;
	s22 =	simm.s32 $0x1900;
	[sflag:s19] =	ssyncset.done $0x0  }
.LBB2_2:
0x67: {  	s25 =	sshra.s32 s22, $0x2;
	[sflag:s19] =	ssyncadd.s32 $0xFFFFCE00  }
0x68: {  	[tilespmem:s10], [sflag:$0x1] =	stream.indirect.gather [hbm4b:s4+s9], $0x40, s25, s9, $0xb8;
	[tilespmem:$0x1F400] =	vst v63  }
0x69: {  	s29 =	sadd.s32 $0xC8, s25  }
0x6a: {  	[tilespmem:s11], [sflag:$0x1] =	stream.indirect.gather [hbm4b:s4+s9], $0x40, s29, s9, $0xb8;
	[tilespmem:$0x1F400] =	vst v63  }
0x6b: {  	s30 =	sadd.s32 $0x190, s25  }
0x6c: {  	[tilespmem:s12], [sflag:$0x1] =	stream.indirect.gather [hbm4b:s4+s9], $0x40, s30, s9, $0xb8;
	[tilespmem:$0x1F400] =	vst v63  }
0x6d: {  	s31 =	sadd.s32 $0x258, s25  }
0x6e: {  	[tilespmem:s13], [sflag:$0x1] =	stream.indirect.gather [hbm4b:s4+s9], $0x40, s31, s9, $0xb8;
	[tilespmem:$0x1F400] =	vst v63  }
0x6f: {  	s26 =	sadd.s32 $0x320, s25  }
0x70: {  	[tilespmem:s14], [sflag:$0x1] =	stream.indirect.gather [hbm4b:s4+s9], $0x40, s26, s9, $0xb8;
	[tilespmem:$0x1F400] =	vst v63  }
0x71: {  	s28 =	sadd.s32 $0x3E8, s25  }
0x72: {  	[tilespmem:s15], [sflag:$0x1] =	stream.indirect.gather [hbm4b:s4+s9], $0x40, s28, s9, $0xb8;
	[tilespmem:$0x1F400] =	vst v63  }
0x73: {  	s29 =	sadd.s32 $0x4B0, s25  }
0x74: {  	[tilespmem:s16], [sflag:$0x1] =	stream.indirect.gather [hbm4b:s4+s9], $0x40, s29, s9, $0xb8;
	[tilespmem:$0x1F400] =	vst v63  }
0x75: {  	s30 =	sadd.s32 $0x578, s25  }
0x76: {  	[tilespmem:s17], [sflag:$0x1] =	stream.indirect.gather [hbm4b:s4+s9], $0x40, s30, s9, $0xb8;
	[tilespmem:$0x1F400] =	vst v63  }
0x77: {  	_ =	swait.ge [sflag:s18], $0x3200  }
0x78: {  	[sflag:s18] =	ssyncset.done $0x0  }
0x79: {  	[sflag:s18] =	ssyncadd.s32 $0xFFFFCE00  }
0x7a: {  	_ =	swait.ge [sflag:s18], $0x3200  }
0x7b: {  	[sflag:s18] =	ssyncset.done $0x0  }
0x7c: {  	[sflag:s18] =	ssyncadd.s32 $0xFFFFCE00  }
0x7d: {  	_ =	swait.ge [sflag:s18], $0x3200  }
0x7e: {  	[sflag:s18] =	ssyncset.done $0x0  }
0x7f: {  	[sflag:s18] =	ssyncadd.s32 $0xFFFFCE00  }
0x80: {  	_ =	swait.ge [sflag:s18], $0x3200  }
0x81: {  	[sflag:s18] =	ssyncset.done $0x0  }
0x82: {  	[sflag:s18] =	ssyncadd.s32 $0xFFFFCE00  }
0x83: {  	_ =	swait.ge [sflag:s18], $0x3200  }
0x84: {  	[sflag:s18] =	ssyncset.done $0x0  }
0x85: {  	[sflag:s18] =	ssyncadd.s32 $0xFFFFCE00  }
0x86: {  	_ =	swait.ge [sflag:s18], $0x3200  }
0x87: {  	[sflag:s18] =	ssyncset.done $0x0  }
0x88: {  	[sflag:s18] =	ssyncadd.s32 $0xFFFFCE00  }
0x89: {  	_ =	swait.ge [sflag:s18], $0x3200  }
0x8a: {  	[sflag:s18] =	ssyncset.done $0x0  }
0x8b: {  	[sflag:s18] =	ssyncadd.s32 $0xFFFFCE00  }
0x8c: {  	_ =	swait.ge [sflag:s18], $0x3200  }
0x8d: {  	s22 =	smov.u32 s24;
	s23 =	sadd.s32 $0x1900, s24;
	[sflag:s18] =	ssyncset.done $0x0  }
0x8e: {  	s28 =	sadd.s32 s21, s7;
	s31 =	rddreg [dreg:$0x9];
	[sflag:s18] =	ssyncadd.s32 $0xFFFFCE00  }
0x8f: {  	[hbm4b:s28+s3] =	stream.linear.scatter [tilespmem:s10], [sflag:$0x2], $0x3200, $0x38;
	[tilespmem:$0x1F400] =	vst v63  }
0x90: {  	p0 =	sne.s32 s24, $0x17700;
	s26 =	rddreg [dreg:$0x8];
	s24 =	sadd.s32 s21, s31  }
0x91: {  	[hbm4b:s24+s3] =	stream.linear.scatter [tilespmem:s11], [sflag:$0x2], $0x3200, $0x38;
	[tilespmem:$0x1F400] =	vst v63  }
0x92: {  	s29 =	rddreg [dreg:$0x7];
	s30 =	sadd.s32 s21, s26  }
0x93: {  	[hbm4b:s30+s3] =	stream.linear.scatter [tilespmem:s12], [sflag:$0x2], $0x3200, $0x38;
	[tilespmem:$0x1F400] =	vst v63  }
0x94: {  	s31 =	rddreg [dreg:$0x6];
	s28 =	sadd.s32 s21, s29  }
0x95: {  	[hbm4b:s28+s3] =	stream.linear.scatter [tilespmem:s13], [sflag:$0x2], $0x3200, $0x38;
	[tilespmem:$0x1F400] =	vst v63  }
0x96: {  	s29 =	rddreg [dreg:$0x5];
	s30 =	sadd.s32 s21, s31  }
0x97: {  	[hbm4b:s30+s3] =	stream.linear.scatter [tilespmem:s14], [sflag:$0x2], $0x3200, $0x38;
	[tilespmem:$0x1F400] =	vst v63  }
0x98: {  	s31 =	rddreg [dreg:$0x4];
	s28 =	sadd.s32 s21, s29  }
0x99: {  	[hbm4b:s28+s3] =	stream.linear.scatter [tilespmem:s15], [sflag:$0x2], $0x3200, $0x38;
	[tilespmem:$0x1F400] =	vst v63  }
0x9a: {  	s29 =	rddreg [dreg:$0x3];
	s30 =	sadd.s32 s21, s31  }
0x9b: {  	[hbm4b:s30+s3] =	stream.linear.scatter [tilespmem:s16], [sflag:$0x2], $0x3200, $0x38;
	[tilespmem:$0x1F400] =	vst v63  }
0x9c: {  	s31 =	sadd.s32 s21, s29  }
0x9d: {  	[hbm4b:s31+s3] =	stream.linear.scatter [tilespmem:s17], [sflag:$0x2], $0x3200, $0x38;
	[tilespmem:$0x1F400] =	vst v63  }
0x9e: {  	_ =	swait.ge [sflag:s19], $0x3200  }
0x9f: {  	[sflag:s19] =	ssyncset.done $0x0  }
0xa0: {  	[sflag:s19] =	ssyncadd.s32 $0xFFFFCE00  }
0xa1: {  	_ =	swait.ge [sflag:s19], $0x3200  }
0xa2: {  	[sflag:s19] =	ssyncset.done $0x0  }
0xa3: {  	[sflag:s19] =	ssyncadd.s32 $0xFFFFCE00  }
0xa4: {  	_ =	swait.ge [sflag:s19], $0x3200  }
0xa5: {  	[sflag:s19] =	ssyncset.done $0x0  }
0xa6: {  	[sflag:s19] =	ssyncadd.s32 $0xFFFFCE00  }
0xa7: {  	_ =	swait.ge [sflag:s19], $0x3200  }
0xa8: {  	[sflag:s19] =	ssyncset.done $0x0  }
0xa9: {  	[sflag:s19] =	ssyncadd.s32 $0xFFFFCE00  }
0xaa: {  	_ =	swait.ge [sflag:s19], $0x3200  }
0xab: {  	[sflag:s19] =	ssyncset.done $0x0  }
0xac: {  	[sflag:s19] =	ssyncadd.s32 $0xFFFFCE00  }
0xad: {  	_ =	swait.ge [sflag:s19], $0x3200  }
0xae: {  	[sflag:s19] =	ssyncset.done $0x0  }
0xaf: {  	[sflag:s19] =	ssyncadd.s32 $0xFFFFCE00  }
.Ltmp0:
0xb0: {  	_ =	swait.ge [sflag:s19], $0x3200;
	(pc) =	sbr.rel @p0 .LBB2_2-.Ltmp0, $4  }
0xb1: {  	[sflag:s19] =	ssyncset.done $0x0  }
0xb2: {  	[sflag:s19] =	ssyncadd.s32 $0xFFFFCE00  }
0xb3: {  	_ =	swait.ge [sflag:s19], $0x3200  }
0xb4: {  	s24 =	smov.u32 s23;
	s21 =	sadd.s32 $0x3200, s21;
	[sflag:s19] =	ssyncset.done $0x0  }
0xb5: {  	s22 =	sshra.s32 s22, $0x2;
	[sflag:s19] =	ssyncadd.s32 $0xFFFFCE00  }
0xb6: {  	[tilespmem:s10], [sflag:$0x1] =	stream.indirect.gather [hbm4b:s4+s9], $0x40, s22, s9, $0xb8;
	[tilespmem:$0x1F400] =	vst v63  }
0xb7: {  	s23 =	sadd.s32 $0xC8, s22  }
0xb8: {  	[tilespmem:s11], [sflag:$0x1] =	stream.indirect.gather [hbm4b:s4+s9], $0x40, s23, s9, $0xb8;
	[tilespmem:$0x1F400] =	vst v63  }
0xb9: {  	s25 =	sadd.s32 $0x190, s22  }
0xba: {  	[tilespmem:s12], [sflag:$0x1] =	stream.indirect.gather [hbm4b:s4+s9], $0x40, s25, s9, $0xb8;
	[tilespmem:$0x1F400] =	vst v63  }
0xbb: {  	s26 =	sadd.s32 $0x258, s22  }
0xbc: {  	[tilespmem:s13], [sflag:$0x1] =	stream.indirect.gather [hbm4b:s4+s9], $0x40, s26, s9, $0xb8;
	[tilespmem:$0x1F400] =	vst v63  }
0xbd: {  	s28 =	sadd.s32 $0x320, s22  }
0xbe: {  	[tilespmem:s14], [sflag:$0x1] =	stream.indirect.gather [hbm4b:s4+s9], $0x40, s28, s9, $0xb8;
	[tilespmem:$0x1F400] =	vst v63  }
0xbf: {  	s29 =	sadd.s32 $0x3E8, s22  }
0xc0: {  	[tilespmem:s15], [sflag:$0x1] =	stream.indirect.gather [hbm4b:s4+s9], $0x40, s29, s9, $0xb8;
	[tilespmem:$0x1F400] =	vst v63  }
0xc1: {  	s30 =	sadd.s32 $0x4B0, s22  }
0xc2: {  	[tilespmem:s16], [sflag:$0x1] =	stream.indirect.gather [hbm4b:s4+s9], $0x40, s30, s9, $0xb8;
	[tilespmem:$0x1F400] =	vst v63  }
0xc3: {  	s22 =	sadd.s32 $0x578, s22  }
0xc4: {  	[tilespmem:s17], [sflag:$0x1] =	stream.indirect.gather [hbm4b:s4+s9], $0x40, s22, s9, $0xb8;
	[tilespmem:$0x1F400] =	vst v63  }
0xc5: {  	_ =	swait.ge [sflag:s18], $0x3200  }
0xc6: {  	[sflag:s18] =	ssyncset.done $0x0  }
0xc7: {  	[sflag:s18] =	ssyncadd.s32 $0xFFFFCE00  }
0xc8: {  	_ =	swait.ge [sflag:s18], $0x3200  }
0xc9: {  	[sflag:s18] =	ssyncset.done $0x0  }
0xca: {  	[sflag:s18] =	ssyncadd.s32 $0xFFFFCE00  }
0xcb: {  	_ =	swait.ge [sflag:s18], $0x3200  }
0xcc: {  	[sflag:s18] =	ssyncset.done $0x0  }
0xcd: {  	[sflag:s18] =	ssyncadd.s32 $0xFFFFCE00  }
0xce: {  	_ =	swait.ge [sflag:s18], $0x3200  }
0xcf: {  	[sflag:s18] =	ssyncset.done $0x0  }
0xd0: {  	[sflag:s18] =	ssyncadd.s32 $0xFFFFCE00  }
0xd1: {  	_ =	swait.ge [sflag:s18], $0x3200  }
0xd2: {  	[sflag:s18] =	ssyncset.done $0x0  }
0xd3: {  	[sflag:s18] =	ssyncadd.s32 $0xFFFFCE00  }
0xd4: {  	_ =	swait.ge [sflag:s18], $0x3200  }
0xd5: {  	[sflag:s18] =	ssyncset.done $0x0  }
0xd6: {  	[sflag:s18] =	ssyncadd.s32 $0xFFFFCE00  }
0xd7: {  	_ =	swait.ge [sflag:s18], $0x3200  }
0xd8: {  	[sflag:s18] =	ssyncset.done $0x0  }
0xd9: {  	[sflag:s18] =	ssyncadd.s32 $0xFFFFCE00  }
0xda: {  	_ =	swait.ge [sflag:s18], $0x3200  }
0xdb: {  	[sflag:s18] =	ssyncset.done $0x0  }
0xdc: {  	s25 =	sadd.s32 s21, s7;
	s31 =	rddreg [dreg:$0x9];
	[sflag:s18] =	ssyncadd.s32 $0xFFFFCE00  }
0xdd: {  	[hbm4b:s25+s3] =	stream.linear.scatter [tilespmem:s10], [sflag:$0x2], $0x3200, $0x38;
	[tilespmem:$0x1F400] =	vst v63  }
0xde: {  	s24 =	rddreg [dreg:$0x8];
	s22 =	sadd.s32 s21, s31  }
0xdf: {  	[hbm4b:s22+s3] =	stream.linear.scatter [tilespmem:s11], [sflag:$0x2], $0x3200, $0x38;
	[tilespmem:$0x1F400] =	vst v63  }
0xe0: {  	s26 =	rddreg [dreg:$0x7];
	s28 =	sadd.s32 s21, s24  }
0xe1: {  	[hbm4b:s28+s3] =	stream.linear.scatter [tilespmem:s12], [sflag:$0x2], $0x3200, $0x38;
	[tilespmem:$0x1F400] =	vst v63  }
0xe2: {  	s29 =	rddreg [dreg:$0x6];
	s30 =	sadd.s32 s21, s26  }
0xe3: {  	[hbm4b:s30+s3] =	stream.linear.scatter [tilespmem:s13], [sflag:$0x2], $0x3200, $0x38;
	[tilespmem:$0x1F400] =	vst v63  }
0xe4: {  	s31 =	rddreg [dreg:$0x5];
	s25 =	sadd.s32 s21, s29  }
0xe5: {  	[hbm4b:s25+s3] =	stream.linear.scatter [tilespmem:s14], [sflag:$0x2], $0x3200, $0x38;
	[tilespmem:$0x1F400] =	vst v63  }
0xe6: {  	s26 =	rddreg [dreg:$0x4];
	s28 =	sadd.s32 s21, s31  }
0xe7: {  	[hbm4b:s28+s3] =	stream.linear.scatter [tilespmem:s15], [sflag:$0x2], $0x3200, $0x38;
	[tilespmem:$0x1F400] =	vst v63  }
0xe8: {  	s29 =	rddreg [dreg:$0x3];
	s30 =	sadd.s32 s21, s26  }
0xe9: {  	[hbm4b:s30+s3] =	stream.linear.scatter [tilespmem:s16], [sflag:$0x2], $0x3200, $0x38;
	[tilespmem:$0x1F400] =	vst v63  }
0xea: {  	s31 =	sadd.s32 s21, s29  }
0xeb: {  	[hbm4b:s31+s3] =	stream.linear.scatter [tilespmem:s17], [sflag:$0x2], $0x3200, $0x38;
	[tilespmem:$0x1F400] =	vst v63  }
0xec: {  	_ =	swait.ge [sflag:s19], $0x3200  }
0xed: {  	[sflag:s19] =	ssyncset.done $0x0  }
0xee: {  	[sflag:s19] =	ssyncadd.s32 $0xFFFFCE00  }
0xef: {  	_ =	swait.ge [sflag:s19], $0x3200  }
0xf0: {  	[sflag:s19] =	ssyncset.done $0x0  }
0xf1: {  	[sflag:s19] =	ssyncadd.s32 $0xFFFFCE00  }
0xf2: {  	_ =	swait.ge [sflag:s19], $0x3200  }
0xf3: {  	[sflag:s19] =	ssyncset.done $0x0  }
0xf4: {  	[sflag:s19] =	ssyncadd.s32 $0xFFFFCE00  }
0xf5: {  	_ =	swait.ge [sflag:s19], $0x3200  }
0xf6: {  	[sflag:s19] =	ssyncset.done $0x0  }
0xf7: {  	[sflag:s19] =	ssyncadd.s32 $0xFFFFCE00  }
0xf8: {  	_ =	swait.ge [sflag:s19], $0x3200  }
0xf9: {  	[sflag:s19] =	ssyncset.done $0x0  }
0xfa: {  	[sflag:s19] =	ssyncadd.s32 $0xFFFFCE00  }
0xfb: {  	_ =	swait.ge [sflag:s19], $0x3200  }
0xfc: {  	[sflag:s19] =	ssyncset.done $0x0  }
0xfd: {  	s20 =	sadd.s32 $0x1, s20;
	[sflag:s19] =	ssyncadd.s32 $0xFFFFCE00  }
0xfe: {  	p0 =	sne.s32 s20, s6;
	_ =	swait.ge [sflag:s19], $0x3200  }
.Ltmp1:
0xff: {  	[sflag:s19] =	ssyncset.done $0x0;
	(pc) =	sbr.rel @p0 .LBB2_1-.Ltmp1, $4  }
0x100: {  	[sflag:s19] =	ssyncadd.s32 $0xFFFFCE00  }
0x101: {  	_ =	swait.ge [sflag:s19], $0x3200  }
0x102: {  	[sflag:s19] =	ssyncset.done $0x0  }
0x103: {  	[sflag:s19] =	ssyncadd.s32 $0xFFFFCE00  }
0x104: {  	_ =	sfence.sel $0x180000  }
0x105: {  	[bflag:$0x0] =	sbarrier.arrive $0xFFFF  }
0x106: {  	p0 =	sne.s32 s0, $0x0;
	_ =	strace $0x90000047  }
0x107: {  	s0 =	sadd.s32 @!p0 $0x100000, s1;
	[bflag:$0x2] =	sbarrier.arrive $0xFFFF  }
0x108: {  	[sflag:s0] =	ssyncadd.tile.s32 @!p0 $0x1;
	_ =	shalt  }
.Lfunc_end2:
_tile_overlayer_lowered:
.L_overlay_start_2:
0x109: {  	(tag) =	ssettag $0x2  }
0x10a: {  	s0 =	rddreg [dreg:$0x0];
	s2 =	stileid.u32  }
0x10b: {  	s1 =	rddreg [dreg:$0x1];
	p0 =	sne.s32 s2, $0x0  }
0x10c: {  	s3 =	rddreg [dreg:$0x2];
	[bflag:$0x3] =	sbarrier.arrive $0xFFFF;
	s2 =	simm.s32 @!p0 $0x1C03  }
0x10d: {  	[timem:s3], [sflag:s2] =	dma.local @!p0 [hbm:s0], s1  }
0x10e: {  	s0 =	simm.s32 @!p0 $0x3  }
0x10f: {  	_ =	swait.ge @!p0 [sflag:s0], s1  }
0x110: {  	s1 =	ssub.s32 @!p0 $0x0, s1;
	[sflag:s0] =	ssyncset.done @!p0 $0x0  }
0x111: {  	[sflag:s0] =	ssyncadd.s32 @!p0 s1  }
0x112: {  	[bflag:$0x3] =	sbarrier.arrive $0xFFFF  }
0x113: {  	_ =	shalt  }

// kernel: sparse-core-data-format-call.cloned.1.call-start
scs
called_computation_lowered:
.L_overlay_start_0:
0x0: {  	s2 =	sld [smem:$0x3FD9]  }
0x1: {  	s3 =	sld [smem:$0x3FFE];
	_ =	sdelay $0x1  }
0x2: {  	s1 =	srdreg.scid  }
0x3: {  	s0 =	sand.u32 $0x1, s1  }
0x4: {  	s18 =	sshll.u32 s0, $0xA;
	s2 =	sadd.s32 s3, s2  }
0x5: {  	s2 =	sadd.s32 s2, s18  }
0x6: {  	[smem:$0x3FC6] =	sst s2  }
0x7: {  	_ = 	snop  }
0x8: {  	s2 =	sld [smem:$0x3FD0];
	(tm) =	ssettm $0x1  }
0x9: {  	s19 =	sld [smem:$0x3FFB];
	_ =	sdelay $0x3  }
0xa: {  	_ =	strace s19  }
0xb: {  	s3 =	sld [smem:$0x3FFC];
	_ =	sdelay $0x3  }
0xc: {  	_ =	strace s3  }
0xd: {  	s3 =	sld [smem:$0x3FFD];
	_ =	sdelay $0x3  }
0xe: {  	_ =	strace s3  }
0xf: {  	_ =	strace $0x8FFFFFFF  }
0x10: {  	s20 =	sld [smem:$0x3FDB];
	_ =	sdelay $0x1  }
0x11: {  	s4 =	simm.s32 $_scs_section_size  }
0x12: {  	s5 =	simm.s32 $_size__tile_overlayer_lowered;
	s6 =	simm.s32 $_tile_overlayer_lowered  }
0x13: {  	s23 =	simm.s32 $0x1BFF;
	s22 =	sshll.u32 s6, $0x1;
	s3 =	sadd.s32 s4, s20  }
0x14: {  	s7 =	simm.s32 $0x0;
	s21 =	sshll.u32 s5, $0x1;
	s5 =	sadd.s32 s22, s3  }
0x15: {  	[timem:s7], [sflag:s23] =	dma.local [hbm:s5], s21  }
0x16: {  	_ =	swait.ge [sflag:s23], s21  }
0x17: {  	s4 =	ssub.s32 $0x0, s21;
	[sflag:s23] =	ssyncset.done $0x0  }
0x18: {  	[sflag:s23] =	ssyncadd.s32 s4;
	_ =	sdelay $0x1  }
0x19: {  	s24 =	simm.s32 $0x1B8B  }
0x1a: {  	_ =	swait.ge [sflag:s24], $0x1  }
0x1b: {  	[sflag:s24] =	ssyncset.done $0x0  }
0x1c: {  	s26 =	simm.s32 $0x1B8E;
	s25 =	sld [smem:$0x3FFE];
	[sflag:s24] =	ssyncadd.s32 $0xFFFFFFFF  }
0x1d: {  	s27 =	simm.s32 $execute0_lowered;
	[smem:$0x3FD2] =	sst s26  }
0x1e: {  	s5 =	sshll.u32 s27, $0x1;
	_ =	strace $0x80000049;
	[dreg:$0x1] =	wrdreg $0xFFFFFFFF  }
0x1f: {  	s28 =	simm.s32 $_size_execute0_lowered;
	s3 =	sadd.s32 s3, s5;
	[dreg:$0x0] =	wrdreg $0x0  }
0x20: {  	s5 =	sshll.u32 s28, $0x1;
	[dreg:$0x2] =	wrdreg s3  }
0x21: {  	[dreg:$0x3] =	wrdreg s5  }
0x22: {  	[dreg:$0x4] =	wrdreg $0xC0  }
0x23: {  	_ =	task [dreg:s7], $0x5FFFF  }
0x24: {  	[dreg:$0x1] =	wrdreg $0xFFFFFFFF  }
0x25: {  	[dreg:$0x0] =	wrdreg $0x60  }
0x26: {  	[dreg:$0x2] =	wrdreg s25  }
0x27: {  	[dreg:$0x3] =	wrdreg s2  }
0x28: {  	[dreg:$0x4] =	wrdreg $0x9  }
0x29: {  	_ =	task.clear_ibuf [dreg:s7], $0x5FFFF;
	_ =	strace $0x90000049  }
0x2a: {  	s29 =	simm.s32 $0x9;
	_ =	strace $0x8000004B  }
0x2b: {  	_ =	swait.ge [sflag:s29], $0x1  }
0x2c: {  	[sflag:s29] =	ssyncadd.s32 $0xFFFFFFFF  }
0x2d: {  	_ =	strace $0x9000004B  }
0x2e: {  	_ =	sfence  }
0x2f: {  	s30 =	sld [smem:$0x0];
	_ =	sdelay $0x2  }
0x30: {  	s31 =	sshll.u32 s1, $0xD;
	s1 =	sshrl.u32 s1, $0x2  }
0x31: {  	s3 =	sand.u32 $0x4000, s31;
	s1 =	sadd.s32 s1, s30  }
0x32: {  	s0 =	sor.u32 s3, s0;
	s1 =	sshll.u32 s1, $0x11  }
0x33: {  	s0 =	sor.u32 s1, s0  }
0x34: {  	s0 =	sadd.s32 $0x8F2B, s0  }
0x35: {  	[sflag:s0] =	ssyncadd.remote.s32 $0x1  }
0x36: {  	_ =	sfence.sel $0xFFFF  }
0x37: {  	[dreg:$0x0] =	wrdreg $0xFFFFFFFF;
	(pc) =	sbr.abs _section_cstart, $3  }
0x38: {  	[dreg:$0x1] =	wrdreg $0xFFFFFFFF  }
0x39: {  	_ =	task.clear_ibuf [dreg:s7], $0x2FFFF;
	_ =	strace $0x9FFFFFFF  }
0x3a: {  	(tm) =	ssettm $0x7FFFFFFF  }
0x3b: {  	_ =	shalt  }
tec
execute0_lowered:
.L_overlay_start_1:
0x0: {  	(tag) =	ssettag $0x1  }
0x1: {  	s0 =	srdreg.scid  }
0x2: {  	s1 =	sshll.u32 s0, $0x4  }
0x3: {  	s0 =	stileid.u32;
	s1 =	sand.u32 $0x10, s1  }
0x4: {  	s1 =	sor.u32 s0, s1  }
0x5: {  	s6 =	rddreg [dreg:$0x0];
	s4 =	simm.s32 $0x1;
	s2 =	sshll.u32 s1, $0x7  }
0x6: {  	s7 =	simm.s32 $0x2;
	s12 =	simm.s32 $0x0;
	s1 =	ssub.s32 $0x1000, s2  }
0x7: {  	s8 =	simm.s32 $0x8000;
	s13 =	simm.s32 $0x0;
	s3 =	sand.u32 $0xF80, s1  }
0x8: {  	s9 =	simm.s32 $0x0;
	s5 =	sshrl.u32 s1, $0xC;
	p0 =	sne.s32 s3, $0x0  }
.Ltmp0:
0x9: {  	s1 =	rddreg [dreg:$0x2];
	s4 =	simm.s32 @!p0 $0x0;
	(pc) =	sbr.rel .LBB1_1-.Ltmp0, $4  }
0xa: {  	s11 =	simm.s32 $0x0;
	s3 =	rddreg [dreg:$0x1];
	s5 =	sadd.s32 s4, s5  }
0xb: {  	_ =	strace $0x8000004A;
	s4 =	simm.s32 $0x1;
	s5 =	smul.u32 $0xC8, s5  }
0xc: {  	s6 =	sadd.s32 $0xA00, s6;
	s10 =	smov.u32 s2;
	[sflag:s4] =	ssyncpa.u1 $0x0  }
0xd: {  	p0 =	por $0x0, $0x0;
	[sflag:s7] =	ssyncpa.u1 $0x0;
	s7 =	sor.u32 $0x1, s5  }
.LBB1_4:
0xe: {  	s16 =	sshll.u32 s13, $0x3;
	s17 =	sand.u32 $0x78, s13  }
0xf: {  	s30 =	sand.u32 $0x7E00, s13;
	s12 =	sshll.u32 s12, $0xF;
	s16 =	sand.u32 $0xC00, s16  }
0x10: {  	[tilespmem:s15+$0x810 ss:$0x81] =	vst.msk $0xffff, v2;
	s31 =	sand.u32 $0x7, s13;
	s16 =	sor.u32 s17, s16;
	s17 =	sadd.s32 s3, s30  }
0x11: {  	[tilespmem:s15+$0x1020 ss:$0x81] =	vst.msk $0xffff, v0;
	s13 =	sshll.u32 s31, $0x12;
	s12 =	sadd.s32 s12, s17;
	s16 =	sshrl.u32 s16, $0x3  }
0x12: {  	[tilespmem:s15+$0x0 ss:$0x81] =	vst.msk $0xffff, v1;
	s13 =	sor.u32 $0x400, s13;
	s12 =	sadd.s32 s16, s12  }
0x13: {  	[hbm4b:s12+s13] =	stream.strided.scatter [tilespmem:s14], [sflag:$0x2], $0x2000, s8, s13, $0x20;
	[tilespmem:$0x8080] =	vst v63  }
.LBB1_5:
0x14: {  	s14 =	sadd.s32 $0x1, s9  }
0x15: {  	s12 =	sadd.s32 $0x1000, s10;
	s16 =	smov.u32 s10;
	p2 =	sgt.s32 s14, $0xC7  }
0x16: {  	s16 =	smov.u32 @p2 s12  }
0x17: {  	s14 =	simm.s32 @p2 $0x0;
	p2 =	sgt.s32 s16, $0xFFF  }
0x18: {  	s16 =	smov.u32 @p2 s2;
	p2 =	sne.s32 s11, s7  }
.Ltmp1:
0x19: {  	p1 =	slt.u32 s11, $0x2;
	(pc) =	sbr.rel @!p2 .LBB1_6-.Ltmp1, $4  }
0x1a: {  	s15 =	simm.s32 @!p1 $0x2  }
0x1b: {  	s13 =	smov.u32 s10;
	p0 =	por !p0, !p0;
	_ =	swait.ge @!p1 [sflag:s15], $0x2000  }
0x1c: {  	s12 =	smov.u32 s9;
	[sflag:s15] =	ssyncset.done @!p1 $0x0;
	s9 =	smov.u32 s14  }
0x1d: {  	s11 =	sadd.s32 $0x1, s11;
	[sflag:s15] =	ssyncadd.s32 @!p1 $0xFFFFE000;
	s10 =	smov.u32 s16  }
.LBB1_1:
0x1e: {  	p1 =	sge.u32 s11, s5  }
0x1f: {  	s14 =	sand.u32 @!p1 $0x1FFFFFF, s9  }
0x20: {  	s15 =	smulhi.u32 @!p1 $0x147AE15, s14;
	_ =	sdelay $0x1  }
0x21: {  	s15 =	smul.u32 @!p1 $0xC8, s15  }
0x22: {  	s16 =	sxor.u32 @!p1 $0xFFFFFFFF, s11;
	s17 =	smul.u32 @!p1 $0xC80, s10  }
0x23: {  	s31 =	sadd.s32 $0xFFFFFFFF, s11;
	s16 =	sshll.u32 @!p1 s16, $0xD;
	s14 =	ssub.s32 @!p1 s14, s15  }
0x24: {  	s15 =	sand.u32 @!p1 $0x2000, s16;
	s16 =	sadd.s32 @!p1 s6, s17;
	s14 =	sshll.u32 @!p1 s14, $0x4  }
0x25: {  	s17 =	simm.s32 @!p1 $0x6400;
	s14 =	sadd.s32 @!p1 s14, s16;
	s16 =	simm.s32 @!p1 $0x40  }
0x26: {  	[tilespmem:s15], [sflag:$0x1] =	stream.strided.gather @!p1 [hbm4b:s14+s16], $0x2000, s17, s16, $0x38;
	[tilespmem:$0x8080] =	vst v63  }
0x27: {  	p1 =	sge.u32 s31, s5  }
.Ltmp2:
0x28: {  	_ = 	snop;
	(pc) =	sbr.rel @p1 .LBB1_5-.Ltmp2, $1  }
0x29: {  	_ =	sdelay $0x3  }
0x2a: {  	s14 =	simm.s32 $0x1  }
0x2b: {  	_ =	swait.ge [sflag:s4], $0x2000;
	s14 =	simm.s32 @!p0 $0x0  }
0x2c: {  	[sflag:s4] =	ssyncset.done $0x0;
	s15 =	sshll.u32 s14, $0xD  }
0x2d: {  	[sflag:s4] =	ssyncadd.s32 $0xFFFFE000;
	s18 =	sor.u32 $0x20, s15  }
0x2e: {  	s14 =	smul.u32 $0x8100, s14;
	v3 =	vld [tilespmem:s18+$0x10]  }
0x2f: {  	s30 =	sand.u32 $0x1, s11;
	v2 =	vld [tilespmem:s18+$0xFFFFFFF0]  }
0x30: {  	s15 =	smul.u32 $0x8100, s30;
	s14 =	sshrl.u32 s14, $0x2;
	v0 =	vld [tilespmem:s18+$0x0]  }
0x31: {  	v1 =	vld [tilespmem:s18+$0xFFFFFFE0];
	s16 =	sor.u32 $0x4000, s14  }
0x32: {  	s31 =	sshrl.u32 s15, $0x2;
	s15 =	sadd.s32 $0x0, s16  }
0x33: {  	s17 =	simm.s32 $0x4;
	s18 =	sadd.s32 $0x40, s18;
	s14 =	sor.u32 $0x4000, s31;
	[tilespmem:s15+$0x1830 ss:$0x81] =	vst.msk $0xffff, v3  }
.LBB1_3:
0x34: {  	v3 =	vld [tilespmem:s18+$0x10];
	p1 =	sne.s32 s17, $0x1FC;
	[tilespmem:s15+$0x810 ss:$0x81] =	vst.msk $0xffff, v2;
	s19 =	smov.u32 s17;
	s17 =	sadd.s32 $0x4, s17  }
.Ltmp3:
0x35: {  	v2 =	vld [tilespmem:s18+$0xFFFFFFF0];
	[tilespmem:s15+$0x1020 ss:$0x81] =	vst.msk $0xffff, v0;
	(pc) =	sbr.rel @p1 .LBB1_3-.Ltmp3, $4  }
0x36: {  	v0 =	vld [tilespmem:s18+$0x0];
	[tilespmem:s15+$0x0 ss:$0x81] =	vst.msk $0xffff, v1  }
0x37: {  	s15 =	sshra.s32 s19, $0x2;
	v1 =	vld [tilespmem:s18+$0xFFFFFFE0]  }
0x38: {  	s15 =	sadd.s32 s15, s16  }
0x39: {  	s18 =	sadd.s32 $0x40, s18;
	[tilespmem:s15+$0x1830 ss:$0x81] =	vst.msk $0xffff, v3  }
.Ltmp4:
0x3a: {  	_ = 	snop;
	(pc) =	sbr.rel .LBB1_4-.Ltmp4, $1  }
0x3b: {  	_ =	sdelay $0x3  }
.LBB1_6:
0x3c: {  	_ =	sfence.sel $0x180000  }
0x3d: {  	s2 =	simm.s32 $0x1;
	[bflag:$0x0] =	sbarrier.arrive $0xFFFF  }
0x3e: {  	s31 =	simm.s32 $0x2;
	[sflag:s2] =	ssyncpa.u1 $0x1  }
0x3f: {  	[sflag:s31] =	ssyncpa.u1 $0x1  }
0x40: {  	p0 =	sne.s32 s0, $0x0;
	_ =	strace $0x9000004A  }
0x41: {  	s0 =	sadd.s32 @!p0 $0x100000, s1;
	[bflag:$0x2] =	sbarrier.arrive $0xFFFF  }
0x42: {  	[sflag:s0] =	ssyncadd.tile.s32 @!p0 $0x1;
	_ =	shalt  }
.Lfunc_end1:
_tile_overlayer_lowered:
.L_overlay_start_2:
0x43: {  	(tag) =	ssettag $0x2  }
0x44: {  	s0 =	rddreg [dreg:$0x0];
	s2 =	stileid.u32  }
0x45: {  	s1 =	rddreg [dreg:$0x1];
	p0 =	sne.s32 s2, $0x0  }
0x46: {  	s3 =	rddreg [dreg:$0x2];
	[bflag:$0x3] =	sbarrier.arrive $0xFFFF;
	s2 =	simm.s32 @!p0 $0x1C01  }
0x47: {  	[timem:s3], [sflag:s2] =	dma.local @!p0 [hbm:s0], s1  }
0x48: {  	s0 =	simm.s32 @!p0 $0x1  }
0x49: {  	_ =	swait.ge @!p0 [sflag:s0], s1  }
0x4a: {  	s1 =	ssub.s32 @!p0 $0x0, s1;
	[sflag:s0] =	ssyncset.done @!p0 $0x0  }
0x4b: {  	[sflag:s0] =	ssyncadd.s32 @!p0 s1  }
0x4c: {  	[bflag:$0x3] =	sbarrier.arrive $0xFFFF  }
0x4d: {  	_ =	shalt  }

</sc_bundles>
